<compile_context>
chip_gen: v7x
topology: tpu7x:2x2x1
jax: 0.10.2.dev20260603
libtpu: 0.0.44.dev20260713+nightly
codegen_flags: <defaults>
</compile_context>

<pallas_src>
import functools

import jax
import jax.numpy as jnp
from jax import lax
from jax.experimental import pallas as pl
from jax.experimental.pallas import tpu as pltpu, tpu_sc as plsc

ROWS = 4096
COLS = 26
VOCAB = 1000
PLANE = COLS * VOCAB
NUM_WORKERS = 32
PLANES_PER_WORKER = ROWS // NUM_WORKERS
L = 16
P = 2
GROUPS = PLANES_PER_WORKER // P
NBATCH = (P * COLS + L - 1) // L


def _batch_consts():
    iota = lax.iota(jnp.int32, L)
    out = []
    for k in range(NBATCH):
        r = iota + k * L
        mask = (r < P * COLS) if (k + 1) * L > P * COLS else None
        rc = jnp.minimum(r, P * COLS - 1)
        out.append((rc // COLS, rc % COLS, mask))
    return out


def _body(x_hbm, zeros_hbm, out_hbm, buf0, buf1, idx_v, sav, sem0, sem1):
    wid = lax.axis_index("c") * 16 + lax.axis_index("s")
    base = wid * PLANES_PER_WORKER

    bufs = (buf0, buf1)
    sems = (sem0, sem1)

    pltpu.async_copy(zeros_hbm, buf0, sem0)
    pltpu.async_copy(zeros_hbm, buf1, sem1)

    pltpu.sync_copy(x_hbm.at[pl.ds(base, PLANES_PER_WORKER)], idx_v)

    consts = _batch_consts()
    ones = jnp.full((L,), 1.0, jnp.float32)
    zeros_v = jnp.zeros((L,), jnp.float32)
    zeros_i = jnp.zeros((L,), jnp.int32)

    for i in range(2 * NBATCH):
        sav[i, :] = zeros_i

    def step(g, carry):
        for b in range(2):
            buf, sem = bufs[b], sems[b]
            first_plane = (2 * g + b) * P
            pltpu.make_async_copy(zeros_hbm, buf, sem).wait()
            for k, (poff, rows, mask) in enumerate(consts):
                slot = b * NBATCH + k
                plsc.store_scatter(buf, [sav[slot, :]], zeros_v, mask=mask)
                cols = plsc.load_gather(idx_v, [first_plane + poff, rows],
                                        mask=mask)
                pos = poff * PLANE + rows * VOCAB + cols
                if mask is not None:
                    pos = jnp.where(mask, pos, 0)
                plsc.store_scatter(buf, [pos], ones, mask=mask)
                sav[slot, :] = pos
            pltpu.async_copy(
                buf, out_hbm.at[pl.ds((base + first_plane) * PLANE,
                                      P * PLANE)], sem)
        return carry

    lax.fori_loop(0, GROUPS // 2, step, 0)

    pltpu.make_async_copy(zeros_hbm, buf0, sem0).wait()
    pltpu.make_async_copy(zeros_hbm, buf1, sem1).wait()


_onehot_sc = functools.partial(
    pl.kernel,
    out_type=jax.ShapeDtypeStruct((ROWS * PLANE,), jnp.float32),
    mesh=plsc.VectorSubcoreMesh(core_axis_name="c", subcore_axis_name="s"),
    compiler_params=pltpu.CompilerParams(
        use_tc_tiling_on_sc=False, needs_layout_passes=False),
    scratch_types=[
        pltpu.VMEM((P * PLANE,), jnp.float32),
        pltpu.VMEM((P * PLANE,), jnp.float32),
        pltpu.VMEM((PLANES_PER_WORKER, COLS), jnp.int32),
        pltpu.VMEM((2 * NBATCH, L), jnp.int32),
        pltpu.SemaphoreType.DMA,
        pltpu.SemaphoreType.DMA,
    ],
)(_body)


def kernel(x):
    zeros = jnp.zeros((P * PLANE,), jnp.float32)
    return _onehot_sc(x, zeros).reshape(ROWS, COLS, VOCAB)

# --- scband reference (transcript-rebuilt; emitter-appended) ---
"""Pipeline reference for scband-one-hot-embedding-6657199309031 (READ-ONLY COPY).

The authoritative reference and input builder live on the scoring server;
editing this copy changes nothing except your own understanding.
"""

import jax, jax.numpy as jnp
import numpy as np

VOCAB_SIZE = 1000

def setup_inputs(seed: int = 0) -> dict:
    key = jax.random.key(seed)
    x = jax.random.randint(key, (4096, 26), 0, VOCAB_SIZE, dtype=jnp.int64) if jax.config.jax_enable_x64 else jax.random.randint(key, (4096, 26), 0, VOCAB_SIZE, dtype=jnp.int32)
    return {"x": x}

def reference(x) -> jnp.ndarray:
    # Faithful translation of F.one_hot(x, num_classes=vocab_size).float()
    return jax.nn.one_hot(x, VOCAB_SIZE, dtype=jnp.float32)

if __name__ == "__main__":
    import jax
    _d = setup_inputs()
    print(jax.jit(kernel)(*tuple(_d.values())))

</pallas_src>

<mosaic_0001>
#map = affine_map<(d0, d1) -> (0, 0)>
#map1 = affine_map<(d0, d1) -> (0)>
module attributes {stable_mosaic.version = 14 : i64} {
  func.func @_body(%arg0: i32, %arg1: i32, %arg2: memref<4096x26xi32, #tpu.memory_space<hbm>>, %arg3: memref<52000xf32, #tpu.memory_space<hbm>>, %arg4: memref<106496000xf32, #tpu.memory_space<hbm>>, %arg5: memref<52000xf32, #tpu.memory_space<vmem>>, %arg6: memref<52000xf32, #tpu.memory_space<vmem>>, %arg7: memref<128x26xi32, #tpu.memory_space<vmem>>, %arg8: memref<8x16xi32, #tpu.memory_space<vmem>>, %arg9: memref<!tpu.dma_semaphore, #tpu.memory_space<semaphore_mem>>, %arg10: memref<!tpu.dma_semaphore, #tpu.memory_space<semaphore_mem>>) attributes {dimension_semantics = [#tpu.dimension_semantics<core_parallel>, #tpu.dimension_semantics<subcore_parallel>], iteration_bounds = array<i64: 2, 16>, scalar_prefetch = 0 : i64, scratch_operands = 6 : i64, tpu.core_type = #tpu.core_type<sc_vector_subcore>, window_params = [{transform_indices = #map}, {transform_indices = #map1}, {transform_indices = #map1}]} {
    %mul3A = arith.constant 16 : i32
    %mul3A_0 = arith.muli %arg0, %mul3A : i32
    %add3A = arith.addi %mul3A_0, %arg1 : i32
    %mul3A_1 = arith.constant 128 : i32
    %mul3A_2 = arith.muli %add3A, %mul3A_1 : i32
    tpu.enqueue_dma source(%arg3 : memref<52000xf32, #tpu.memory_space<hbm>>) target(%arg5 : memref<52000xf32, #tpu.memory_space<vmem>>) target_semaphore(%arg9 : memref<!tpu.dma_semaphore, #tpu.memory_space<semaphore_mem>>)
    tpu.enqueue_dma source(%arg3 : memref<52000xf32, #tpu.memory_space<hbm>>) target(%arg6 : memref<52000xf32, #tpu.memory_space<vmem>>) target_semaphore(%arg10 : memref<!tpu.dma_semaphore, #tpu.memory_space<semaphore_mem>>)
    "tpu.region"() ({
      %run_scoped3A = tpu.sem_alloc : memref<!tpu.dma_semaphore, #tpu.memory_space<semaphore_mem>>
      %dma_start3A = arith.constant 0 : i32
      %dma_start3A_272 = tpu.memref_slice %arg2[%mul3A_2, %dma_start3A] : memref<4096x26xi32, #tpu.memory_space<hbm>> -> memref<128x26xi32, #tpu.memory_space<hbm>>
      %dma_start3A_273 = arith.constant 0 : i32
      %dma_start3A_274 = tpu.memref_slice %arg2[%mul3A_2, %dma_start3A_273] : memref<4096x26xi32, #tpu.memory_space<hbm>> -> memref<128x26xi32, #tpu.memory_space<hbm>>
      tpu.enqueue_dma source(%dma_start3A_274 : memref<128x26xi32, #tpu.memory_space<hbm>>) target(%arg7 : memref<128x26xi32, #tpu.memory_space<vmem>>) target_semaphore(%run_scoped3A : memref<!tpu.dma_semaphore, #tpu.memory_space<semaphore_mem>>)
      %dma_wait3A = arith.constant 0 : i32
      %dma_wait3A_275 = tpu.memref_slice %arg2[%mul3A_2, %dma_wait3A] : memref<4096x26xi32, #tpu.memory_space<hbm>> -> memref<128x26xi32, #tpu.memory_space<hbm>>
      %dma_wait3A_276 = arith.constant 0 : i32
      %dma_wait3A_277 = tpu.memref_slice %arg2[%mul3A_2, %dma_wait3A_276] : memref<4096x26xi32, #tpu.memory_space<hbm>> -> memref<128x26xi32, #tpu.memory_space<hbm>>
      tpu.wait_dma2 semaphore(%run_scoped3A : memref<!tpu.dma_semaphore, #tpu.memory_space<semaphore_mem>>) src(%dma_wait3A_277 : memref<128x26xi32, #tpu.memory_space<hbm>>) dst(%arg7 : memref<128x26xi32, #tpu.memory_space<vmem>>)
      tpu.yield
    }) : () -> ()
    %iota3A = tpu.iota {dimensions = array<i32: 0>} : vector<16xi32>
    %add3A_3 = arith.constant 0 : i32
    %add3A_4 = vector.broadcast %add3A_3 : i32 to vector<16xi32>
    %add3A_5 = arith.addi %iota3A, %add3A_4 : vector<16xi32>
    %min3A = arith.constant 51 : i32
    %min3A_6 = vector.broadcast %min3A : i32 to vector<16xi32>
    %min3A_7 = arith.minsi %add3A_5, %min3A_6 : vector<16xi32>
    %jit3A = arith.constant 26 : i32
    %div3A = vector.broadcast %jit3A : i32 to vector<16xi32>
    %div3A_8 = arith.divsi %min3A_7, %div3A : vector<16xi32>
    %sign3A = arith.constant 0 : i32
    %sign3A_9 = vector.broadcast %sign3A : i32 to vector<16xi32>
    %sign3A_10 = arith.cmpi sgt, %min3A_7, %sign3A_9 : vector<16xi32>
    %sign3A_11 = arith.extui %sign3A_10 : vector<16xi1> to vector<16xi32>
    %sign3A_12 = arith.constant 0 : i32
    %sign3A_13 = vector.broadcast %sign3A_12 : i32 to vector<16xi32>
    %sign3A_14 = arith.cmpi slt, %min3A_7, %sign3A_13 : vector<16xi32>
    %sign3A_15 = arith.extui %sign3A_14 : vector<16xi1> to vector<16xi32>
    %sign3A_16 = arith.subi %sign3A_11, %sign3A_15 : vector<16xi32>
    %sign3A_17 = arith.constant 0 : i32
    %sign3A_18 = arith.cmpi sgt, %jit3A, %sign3A_17 : i32
    %sign3A_19 = arith.extui %sign3A_18 : i1 to i32
    %sign3A_20 = arith.constant 0 : i32
    %sign3A_21 = arith.cmpi slt, %jit3A, %sign3A_20 : i32
    %sign3A_22 = arith.extui %sign3A_21 : i1 to i32
    %sign3A_23 = arith.subi %sign3A_19, %sign3A_22 : i32
    %ne3A = vector.broadcast %sign3A_23 : i32 to vector<16xi32>
    %ne3A_24 = arith.cmpi ne, %sign3A_16, %ne3A : vector<16xi32>
    %rem3A = vector.broadcast %jit3A : i32 to vector<16xi32>
    %rem3A_25 = arith.remsi %min3A_7, %rem3A : vector<16xi32>
    %ne3A_26 = arith.constant 0 : i32
    %ne3A_27 = vector.broadcast %ne3A_26 : i32 to vector<16xi32>
    %ne3A_28 = arith.cmpi ne, %rem3A_25, %ne3A_27 : vector<16xi32>
    %and3A = arith.andi %ne3A_24, %ne3A_28 : vector<16xi1>
    %sub3A = arith.constant 1 : i32
    %sub3A_29 = vector.broadcast %sub3A : i32 to vector<16xi32>
    %sub3A_30 = arith.subi %div3A_8, %sub3A_29 : vector<16xi32>
    %select_n3A = arith.select %and3A, %sub3A_30, %div3A_8 : vector<16xi1>, vector<16xi32>
    %jit3A_31 = arith.constant 26 : i32
    %eq3A = arith.constant 0 : i32
    %eq3A_32 = arith.cmpi eq, %jit3A_31, %eq3A : i32
    %jit3A_33 = arith.constant 1 : i32
    %select_n3A_34 = arith.select %eq3A_32, %jit3A_33, %jit3A_31 : i32
    %rem3A_35 = vector.broadcast %select_n3A_34 : i32 to vector<16xi32>
    %rem3A_36 = arith.remsi %min3A_7, %rem3A_35 : vector<16xi32>
    %ne3A_37 = arith.constant 0 : i32
    %ne3A_38 = vector.broadcast %ne3A_37 : i32 to vector<16xi32>
    %ne3A_39 = arith.cmpi ne, %rem3A_36, %ne3A_38 : vector<16xi32>
    %lt3A = arith.constant 0 : i32
    %lt3A_40 = vector.broadcast %lt3A : i32 to vector<16xi32>
    %lt3A_41 = arith.cmpi slt, %rem3A_36, %lt3A_40 : vector<16xi32>
    %lt3A_42 = arith.constant 0 : i32
    %lt3A_43 = arith.cmpi slt, %select_n3A_34, %lt3A_42 : i32
    %ne3A_44 = vector.broadcast %lt3A_43 : i1 to vector<16xi1>
    %ne3A_45 = vector.broadcast %ne3A_44 : vector<16xi1> to vector<16xi1>
    %ne3A_46 = arith.xori %lt3A_41, %ne3A_45 : vector<16xi1>
    %and3A_47 = arith.andi %ne3A_46, %ne3A_39 : vector<16xi1>
    %add3A_48 = vector.broadcast %select_n3A_34 : i32 to vector<16xi32>
    %add3A_49 = arith.addi %rem3A_36, %add3A_48 : vector<16xi32>
    %select_n3A_50 = arith.select %and3A_47, %add3A_49, %rem3A_36 : vector<16xi1>, vector<16xi32>
    %add3A_51 = arith.constant 16 : i32
    %add3A_52 = vector.broadcast %add3A_51 : i32 to vector<16xi32>
    %add3A_53 = arith.addi %iota3A, %add3A_52 : vector<16xi32>
    %min3A_54 = arith.constant 51 : i32
    %min3A_55 = vector.broadcast %min3A_54 : i32 to vector<16xi32>
    %min3A_56 = arith.minsi %add3A_53, %min3A_55 : vector<16xi32>
    %jit3A_57 = arith.constant 26 : i32
    %div3A_58 = vector.broadcast %jit3A_57 : i32 to vector<16xi32>
    %div3A_59 = arith.divsi %min3A_56, %div3A_58 : vector<16xi32>
    %sign3A_60 = arith.constant 0 : i32
    %sign3A_61 = vector.broadcast %sign3A_60 : i32 to vector<16xi32>
    %sign3A_62 = arith.cmpi sgt, %min3A_56, %sign3A_61 : vector<16xi32>
    %sign3A_63 = arith.extui %sign3A_62 : vector<16xi1> to vector<16xi32>
    %sign3A_64 = arith.constant 0 : i32
    %sign3A_65 = vector.broadcast %sign3A_64 : i32 to vector<16xi32>
    %sign3A_66 = arith.cmpi slt, %min3A_56, %sign3A_65 : vector<16xi32>
    %sign3A_67 = arith.extui %sign3A_66 : vector<16xi1> to vector<16xi32>
    %sign3A_68 = arith.subi %sign3A_63, %sign3A_67 : vector<16xi32>
    %sign3A_69 = arith.constant 0 : i32
    %sign3A_70 = arith.cmpi sgt, %jit3A_57, %sign3A_69 : i32
    %sign3A_71 = arith.extui %sign3A_70 : i1 to i32
    %sign3A_72 = arith.constant 0 : i32
    %sign3A_73 = arith.cmpi slt, %jit3A_57, %sign3A_72 : i32
    %sign3A_74 = arith.extui %sign3A_73 : i1 to i32
    %sign3A_75 = arith.subi %sign3A_71, %sign3A_74 : i32
    %ne3A_76 = vector.broadcast %sign3A_75 : i32 to vector<16xi32>
    %ne3A_77 = arith.cmpi ne, %sign3A_68, %ne3A_76 : vector<16xi32>
    %rem3A_78 = vector.broadcast %jit3A_57 : i32 to vector<16xi32>
    %rem3A_79 = arith.remsi %min3A_56, %rem3A_78 : vector<16xi32>
    %ne3A_80 = arith.constant 0 : i32
    %ne3A_81 = vector.broadcast %ne3A_80 : i32 to vector<16xi32>
    %ne3A_82 = arith.cmpi ne, %rem3A_79, %ne3A_81 : vector<16xi32>
    %and3A_83 = arith.andi %ne3A_77, %ne3A_82 : vector<16xi1>
    %sub3A_84 = arith.constant 1 : i32
    %sub3A_85 = vector.broadcast %sub3A_84 : i32 to vector<16xi32>
    %sub3A_86 = arith.subi %div3A_59, %sub3A_85 : vector<16xi32>
    %select_n3A_87 = arith.select %and3A_83, %sub3A_86, %div3A_59 : vector<16xi1>, vector<16xi32>
    %jit3A_88 = arith.constant 26 : i32
    %eq3A_89 = arith.constant 0 : i32
    %eq3A_90 = arith.cmpi eq, %jit3A_88, %eq3A_89 : i32
    %jit3A_91 = arith.constant 1 : i32
    %select_n3A_92 = arith.select %eq3A_90, %jit3A_91, %jit3A_88 : i32
    %rem3A_93 = vector.broadcast %select_n3A_92 : i32 to vector<16xi32>
    %rem3A_94 = arith.remsi %min3A_56, %rem3A_93 : vector<16xi32>
    %ne3A_95 = arith.constant 0 : i32
    %ne3A_96 = vector.broadcast %ne3A_95 : i32 to vector<16xi32>
    %ne3A_97 = arith.cmpi ne, %rem3A_94, %ne3A_96 : vector<16xi32>
    %lt3A_98 = arith.constant 0 : i32
    %lt3A_99 = vector.broadcast %lt3A_98 : i32 to vector<16xi32>
    %lt3A_100 = arith.cmpi slt, %rem3A_94, %lt3A_99 : vector<16xi32>
    %lt3A_101 = arith.constant 0 : i32
    %lt3A_102 = arith.cmpi slt, %select_n3A_92, %lt3A_101 : i32
    %ne3A_103 = vector.broadcast %lt3A_102 : i1 to vector<16xi1>
    %ne3A_104 = vector.broadcast %ne3A_103 : vector<16xi1> to vector<16xi1>
    %ne3A_105 = arith.xori %lt3A_100, %ne3A_104 : vector<16xi1>
    %and3A_106 = arith.andi %ne3A_105, %ne3A_97 : vector<16xi1>
    %add3A_107 = vector.broadcast %select_n3A_92 : i32 to vector<16xi32>
    %add3A_108 = arith.addi %rem3A_94, %add3A_107 : vector<16xi32>
    %select_n3A_109 = arith.select %and3A_106, %add3A_108, %rem3A_94 : vector<16xi1>, vector<16xi32>
    %add3A_110 = arith.constant 32 : i32
    %add3A_111 = vector.broadcast %add3A_110 : i32 to vector<16xi32>
    %add3A_112 = arith.addi %iota3A, %add3A_111 : vector<16xi32>
    %min3A_113 = arith.constant 51 : i32
    %min3A_114 = vector.broadcast %min3A_113 : i32 to vector<16xi32>
    %min3A_115 = arith.minsi %add3A_112, %min3A_114 : vector<16xi32>
    %jit3A_116 = arith.constant 26 : i32
    %div3A_117 = vector.broadcast %jit3A_116 : i32 to vector<16xi32>
    %div3A_118 = arith.divsi %min3A_115, %div3A_117 : vector<16xi32>
    %sign3A_119 = arith.constant 0 : i32
    %sign3A_120 = vector.broadcast %sign3A_119 : i32 to vector<16xi32>
    %sign3A_121 = arith.cmpi sgt, %min3A_115, %sign3A_120 : vector<16xi32>
    %sign3A_122 = arith.extui %sign3A_121 : vector<16xi1> to vector<16xi32>
    %sign3A_123 = arith.constant 0 : i32
    %sign3A_124 = vector.broadcast %sign3A_123 : i32 to vector<16xi32>
    %sign3A_125 = arith.cmpi slt, %min3A_115, %sign3A_124 : vector<16xi32>
    %sign3A_126 = arith.extui %sign3A_125 : vector<16xi1> to vector<16xi32>
    %sign3A_127 = arith.subi %sign3A_122, %sign3A_126 : vector<16xi32>
    %sign3A_128 = arith.constant 0 : i32
    %sign3A_129 = arith.cmpi sgt, %jit3A_116, %sign3A_128 : i32
    %sign3A_130 = arith.extui %sign3A_129 : i1 to i32
    %sign3A_131 = arith.constant 0 : i32
    %sign3A_132 = arith.cmpi slt, %jit3A_116, %sign3A_131 : i32
    %sign3A_133 = arith.extui %sign3A_132 : i1 to i32
    %sign3A_134 = arith.subi %sign3A_130, %sign3A_133 : i32
    %ne3A_135 = vector.broadcast %sign3A_134 : i32 to vector<16xi32>
    %ne3A_136 = arith.cmpi ne, %sign3A_127, %ne3A_135 : vector<16xi32>
    %rem3A_137 = vector.broadcast %jit3A_116 : i32 to vector<16xi32>
    %rem3A_138 = arith.remsi %min3A_115, %rem3A_137 : vector<16xi32>
    %ne3A_139 = arith.constant 0 : i32
    %ne3A_140 = vector.broadcast %ne3A_139 : i32 to vector<16xi32>
    %ne3A_141 = arith.cmpi ne, %rem3A_138, %ne3A_140 : vector<16xi32>
    %and3A_142 = arith.andi %ne3A_136, %ne3A_141 : vector<16xi1>
    %sub3A_143 = arith.constant 1 : i32
    %sub3A_144 = vector.broadcast %sub3A_143 : i32 to vector<16xi32>
    %sub3A_145 = arith.subi %div3A_118, %sub3A_144 : vector<16xi32>
    %select_n3A_146 = arith.select %and3A_142, %sub3A_145, %div3A_118 : vector<16xi1>, vector<16xi32>
    %jit3A_147 = arith.constant 26 : i32
    %eq3A_148 = arith.constant 0 : i32
    %eq3A_149 = arith.cmpi eq, %jit3A_147, %eq3A_148 : i32
    %jit3A_150 = arith.constant 1 : i32
    %select_n3A_151 = arith.select %eq3A_149, %jit3A_150, %jit3A_147 : i32
    %rem3A_152 = vector.broadcast %select_n3A_151 : i32 to vector<16xi32>
    %rem3A_153 = arith.remsi %min3A_115, %rem3A_152 : vector<16xi32>
    %ne3A_154 = arith.constant 0 : i32
    %ne3A_155 = vector.broadcast %ne3A_154 : i32 to vector<16xi32>
    %ne3A_156 = arith.cmpi ne, %rem3A_153, %ne3A_155 : vector<16xi32>
    %lt3A_157 = arith.constant 0 : i32
    %lt3A_158 = vector.broadcast %lt3A_157 : i32 to vector<16xi32>
    %lt3A_159 = arith.cmpi slt, %rem3A_153, %lt3A_158 : vector<16xi32>
    %lt3A_160 = arith.constant 0 : i32
    %lt3A_161 = arith.cmpi slt, %select_n3A_151, %lt3A_160 : i32
    %ne3A_162 = vector.broadcast %lt3A_161 : i1 to vector<16xi1>
    %ne3A_163 = vector.broadcast %ne3A_162 : vector<16xi1> to vector<16xi1>
    %ne3A_164 = arith.xori %lt3A_159, %ne3A_163 : vector<16xi1>
    %and3A_165 = arith.andi %ne3A_164, %ne3A_156 : vector<16xi1>
    %add3A_166 = vector.broadcast %select_n3A_151 : i32 to vector<16xi32>
    %add3A_167 = arith.addi %rem3A_153, %add3A_166 : vector<16xi32>
    %select_n3A_168 = arith.select %and3A_165, %add3A_167, %rem3A_153 : vector<16xi1>, vector<16xi32>
    %add3A_169 = arith.constant 48 : i32
    %add3A_170 = vector.broadcast %add3A_169 : i32 to vector<16xi32>
    %add3A_171 = arith.addi %iota3A, %add3A_170 : vector<16xi32>
    %lt3A_172 = arith.constant 52 : i32
    %lt3A_173 = vector.broadcast %lt3A_172 : i32 to vector<16xi32>
    %lt3A_174 = arith.cmpi slt, %add3A_171, %lt3A_173 : vector<16xi32>
    %min3A_175 = arith.constant 51 : i32
    %min3A_176 = vector.broadcast %min3A_175 : i32 to vector<16xi32>
    %min3A_177 = arith.minsi %add3A_171, %min3A_176 : vector<16xi32>
    %jit3A_178 = arith.constant 26 : i32
    %div3A_179 = vector.broadcast %jit3A_178 : i32 to vector<16xi32>
    %div3A_180 = arith.divsi %min3A_177, %div3A_179 : vector<16xi32>
    %sign3A_181 = arith.constant 0 : i32
    %sign3A_182 = vector.broadcast %sign3A_181 : i32 to vector<16xi32>
    %sign3A_183 = arith.cmpi sgt, %min3A_177, %sign3A_182 : vector<16xi32>
    %sign3A_184 = arith.extui %sign3A_183 : vector<16xi1> to vector<16xi32>
    %sign3A_185 = arith.constant 0 : i32
    %sign3A_186 = vector.broadcast %sign3A_185 : i32 to vector<16xi32>
    %sign3A_187 = arith.cmpi slt, %min3A_177, %sign3A_186 : vector<16xi32>
    %sign3A_188 = arith.extui %sign3A_187 : vector<16xi1> to vector<16xi32>
    %sign3A_189 = arith.subi %sign3A_184, %sign3A_188 : vector<16xi32>
    %sign3A_190 = arith.constant 0 : i32
    %sign3A_191 = arith.cmpi sgt, %jit3A_178, %sign3A_190 : i32
    %sign3A_192 = arith.extui %sign3A_191 : i1 to i32
    %sign3A_193 = arith.constant 0 : i32
    %sign3A_194 = arith.cmpi slt, %jit3A_178, %sign3A_193 : i32
    %sign3A_195 = arith.extui %sign3A_194 : i1 to i32
    %sign3A_196 = arith.subi %sign3A_192, %sign3A_195 : i32
    %ne3A_197 = vector.broadcast %sign3A_196 : i32 to vector<16xi32>
    %ne3A_198 = arith.cmpi ne, %sign3A_189, %ne3A_197 : vector<16xi32>
    %rem3A_199 = vector.broadcast %jit3A_178 : i32 to vector<16xi32>
    %rem3A_200 = arith.remsi %min3A_177, %rem3A_199 : vector<16xi32>
    %ne3A_201 = arith.constant 0 : i32
    %ne3A_202 = vector.broadcast %ne3A_201 : i32 to vector<16xi32>
    %ne3A_203 = arith.cmpi ne, %rem3A_200, %ne3A_202 : vector<16xi32>
    %and3A_204 = arith.andi %ne3A_198, %ne3A_203 : vector<16xi1>
    %sub3A_205 = arith.constant 1 : i32
    %sub3A_206 = vector.broadcast %sub3A_205 : i32 to vector<16xi32>
    %sub3A_207 = arith.subi %div3A_180, %sub3A_206 : vector<16xi32>
    %select_n3A_208 = arith.select %and3A_204, %sub3A_207, %div3A_180 : vector<16xi1>, vector<16xi32>
    %jit3A_209 = arith.constant 26 : i32
    %eq3A_210 = arith.constant 0 : i32
    %eq3A_211 = arith.cmpi eq, %jit3A_209, %eq3A_210 : i32
    %jit3A_212 = arith.constant 1 : i32
    %select_n3A_213 = arith.select %eq3A_211, %jit3A_212, %jit3A_209 : i32
    %rem3A_214 = vector.broadcast %select_n3A_213 : i32 to vector<16xi32>
    %rem3A_215 = arith.remsi %min3A_177, %rem3A_214 : vector<16xi32>
    %ne3A_216 = arith.constant 0 : i32
    %ne3A_217 = vector.broadcast %ne3A_216 : i32 to vector<16xi32>
    %ne3A_218 = arith.cmpi ne, %rem3A_215, %ne3A_217 : vector<16xi32>
    %lt3A_219 = arith.constant 0 : i32
    %lt3A_220 = vector.broadcast %lt3A_219 : i32 to vector<16xi32>
    %lt3A_221 = arith.cmpi slt, %rem3A_215, %lt3A_220 : vector<16xi32>
    %lt3A_222 = arith.constant 0 : i32
    %lt3A_223 = arith.cmpi slt, %select_n3A_213, %lt3A_222 : i32
    %ne3A_224 = vector.broadcast %lt3A_223 : i1 to vector<16xi1>
    %ne3A_225 = vector.broadcast %ne3A_224 : vector<16xi1> to vector<16xi1>
    %ne3A_226 = arith.xori %lt3A_221, %ne3A_225 : vector<16xi1>
    %and3A_227 = arith.andi %ne3A_226, %ne3A_218 : vector<16xi1>
    %add3A_228 = vector.broadcast %select_n3A_213 : i32 to vector<16xi32>
    %add3A_229 = arith.addi %rem3A_215, %add3A_228 : vector<16xi32>
    %select_n3A_230 = arith.select %and3A_227, %add3A_229, %rem3A_215 : vector<16xi1>, vector<16xi32>
    %broadcast_in_dim3A = arith.constant 1.000000e+00 : f32
    %broadcast_in_dim3A_231 = vector.broadcast %broadcast_in_dim3A : f32 to vector<16xf32>
    %broadcast_in_dim3A_232 = arith.constant 0.000000e+00 : f32
    %broadcast_in_dim3A_233 = vector.broadcast %broadcast_in_dim3A_232 : f32 to vector<16xf32>
    %broadcast_in_dim3A_234 = arith.constant 0 : i32
    %broadcast_in_dim3A_235 = vector.broadcast %broadcast_in_dim3A_234 : i32 to vector<16xi32>
    %swap3A = arith.constant 0 : i32
    %swap3A_236 = arith.index_cast %swap3A : i32 to index
    %swap3A_237 = arith.constant 0 : index
    %swap3A_238 = tpu.vector_load %arg8[%swap3A_236, %swap3A_237] {strides = array<i32>} : memref<8x16xi32, #tpu.memory_space<vmem>>, vector<16xi32>,
    tpu.vector_store %arg8[%swap3A_236, %swap3A_237], %broadcast_in_dim3A_235 {strides = array<i32>} : memref<8x16xi32, #tpu.memory_space<vmem>>, vector<16xi32>,
    %swap3A_239 = arith.constant 1 : i32
    %swap3A_240 = arith.index_cast %swap3A_239 : i32 to index
    %swap3A_241 = arith.constant 0 : index
    %swap3A_242 = tpu.vector_load %arg8[%swap3A_240, %swap3A_241] {strides = array<i32>} : memref<8x16xi32, #tpu.memory_space<vmem>>, vector<16xi32>,
    tpu.vector_store %arg8[%swap3A_240, %swap3A_241], %broadcast_in_dim3A_235 {strides = array<i32>} : memref<8x16xi32, #tpu.memory_space<vmem>>, vector<16xi32>,
    %swap3A_243 = arith.constant 2 : i32
    %swap3A_244 = arith.index_cast %swap3A_243 : i32 to index
    %swap3A_245 = arith.constant 0 : index
    %swap3A_246 = tpu.vector_load %arg8[%swap3A_244, %swap3A_245] {strides = array<i32>} : memref<8x16xi32, #tpu.memory_space<vmem>>, vector<16xi32>,
    tpu.vector_store %arg8[%swap3A_244, %swap3A_245], %broadcast_in_dim3A_235 {strides = array<i32>} : memref<8x16xi32, #tpu.memory_space<vmem>>, vector<16xi32>,
    %swap3A_247 = arith.constant 3 : i32
    %swap3A_248 = arith.index_cast %swap3A_247 : i32 to index
    %swap3A_249 = arith.constant 0 : index
    %swap3A_250 = tpu.vector_load %arg8[%swap3A_248, %swap3A_249] {strides = array<i32>} : memref<8x16xi32, #tpu.memory_space<vmem>>, vector<16xi32>,
    tpu.vector_store %arg8[%swap3A_248, %swap3A_249], %broadcast_in_dim3A_235 {strides = array<i32>} : memref<8x16xi32, #tpu.memory_space<vmem>>, vector<16xi32>,
    %swap3A_251 = arith.constant 4 : i32
    %swap3A_252 = arith.index_cast %swap3A_251 : i32 to index
    %swap3A_253 = arith.constant 0 : index
    %swap3A_254 = tpu.vector_load %arg8[%swap3A_252, %swap3A_253] {strides = array<i32>} : memref<8x16xi32, #tpu.memory_space<vmem>>, vector<16xi32>,
    tpu.vector_store %arg8[%swap3A_252, %swap3A_253], %broadcast_in_dim3A_235 {strides = array<i32>} : memref<8x16xi32, #tpu.memory_space<vmem>>, vector<16xi32>,
    %swap3A_255 = arith.constant 5 : i32
    %swap3A_256 = arith.index_cast %swap3A_255 : i32 to index
    %swap3A_257 = arith.constant 0 : index
    %swap3A_258 = tpu.vector_load %arg8[%swap3A_256, %swap3A_257] {strides = array<i32>} : memref<8x16xi32, #tpu.memory_space<vmem>>, vector<16xi32>,
    tpu.vector_store %arg8[%swap3A_256, %swap3A_257], %broadcast_in_dim3A_235 {strides = array<i32>} : memref<8x16xi32, #tpu.memory_space<vmem>>, vector<16xi32>,
    %swap3A_259 = arith.constant 6 : i32
    %swap3A_260 = arith.index_cast %swap3A_259 : i32 to index
    %swap3A_261 = arith.constant 0 : index
    %swap3A_262 = tpu.vector_load %arg8[%swap3A_260, %swap3A_261] {strides = array<i32>} : memref<8x16xi32, #tpu.memory_space<vmem>>, vector<16xi32>,
    tpu.vector_store %arg8[%swap3A_260, %swap3A_261], %broadcast_in_dim3A_235 {strides = array<i32>} : memref<8x16xi32, #tpu.memory_space<vmem>>, vector<16xi32>,
    %swap3A_263 = arith.constant 7 : i32
    %swap3A_264 = arith.index_cast %swap3A_263 : i32 to index
    %swap3A_265 = arith.constant 0 : index
    %swap3A_266 = tpu.vector_load %arg8[%swap3A_264, %swap3A_265] {strides = array<i32>} : memref<8x16xi32, #tpu.memory_space<vmem>>, vector<16xi32>,
    tpu.vector_store %arg8[%swap3A_264, %swap3A_265], %broadcast_in_dim3A_235 {strides = array<i32>} : memref<8x16xi32, #tpu.memory_space<vmem>>, vector<16xi32>,
    %scan3A = arith.constant 0 : i32
    %scan3A_267 = arith.constant 0 : i32
    %scan3A_268 = arith.constant 32 : i32
    %scan3A_269 = arith.addi %scan3A_267, %scan3A_268 : i32
    %scan3A_270 = arith.constant 1 : i32
    scf.for %scan3A_272 = %scan3A_267 to %scan3A_269 step %scan3A_270  : i32 {
      %mul3A_273 = arith.constant 2 : i32
      %mul3A_274 = arith.muli %mul3A_273, %scan3A_272 : i32
      %add3A_275 = arith.constant 0 : i32
      %add3A_276 = arith.addi %mul3A_274, %add3A_275 : i32
      %mul3A_277 = arith.constant 2 : i32
      %mul3A_278 = arith.muli %add3A_276, %mul3A_277 : i32
      tpu.wait_dma2 semaphore(%arg9 : memref<!tpu.dma_semaphore, #tpu.memory_space<semaphore_mem>>) src(%arg3 : memref<52000xf32, #tpu.memory_space<hbm>>) dst(%arg5 : memref<52000xf32, #tpu.memory_space<vmem>>)
      %get3A = arith.constant 0 : i32
      %get3A_279 = arith.index_cast %get3A : i32 to index
      %get3A_280 = arith.constant 0 : index
      %get3A_281 = tpu.vector_load %arg8[%get3A_279, %get3A_280] {strides = array<i32>} : memref<8x16xi32, #tpu.memory_space<vmem>>, vector<16xi32>,
      tpu.vector_store_idx %arg5[%get3A_281], %broadcast_in_dim3A_233 : memref<52000xf32, #tpu.memory_space<vmem>>[vector<16xi32>], vector<16xf32>,
      %add3A_282 = vector.broadcast %mul3A_278 : i32 to vector<16xi32>
      %add3A_283 = arith.addi %add3A_282, %select_n3A : vector<16xi32>
      %gather3A = tpu.vector_load_idx %arg7[%add3A_283, %select_n3A_50] : memref<128x26xi32, #tpu.memory_space<vmem>>[vector<16xi32>, vector<16xi32>], vector<16xi32>,
      %mul3A_284 = arith.constant 26000 : i32
      %mul3A_285 = vector.broadcast %mul3A_284 : i32 to vector<16xi32>
      %mul3A_286 = arith.muli %select_n3A, %mul3A_285 : vector<16xi32>
      %mul3A_287 = arith.constant 1000 : i32
      %mul3A_288 = vector.broadcast %mul3A_287 : i32 to vector<16xi32>
      %mul3A_289 = arith.muli %select_n3A_50, %mul3A_288 : vector<16xi32>
      %add3A_290 = arith.addi %mul3A_286, %mul3A_289 : vector<16xi32>
      %add3A_291 = arith.addi %add3A_290, %gather3A : vector<16xi32>
      tpu.vector_store_idx %arg5[%add3A_291], %broadcast_in_dim3A_231 : memref<52000xf32, #tpu.memory_space<vmem>>[vector<16xi32>], vector<16xf32>,
      %swap3A_292 = arith.constant 0 : i32
      %swap3A_293 = arith.index_cast %swap3A_292 : i32 to index
      %swap3A_294 = arith.constant 0 : index
      %swap3A_295 = tpu.vector_load %arg8[%swap3A_293, %swap3A_294] {strides = array<i32>} : memref<8x16xi32, #tpu.memory_space<vmem>>, vector<16xi32>,
      tpu.vector_store %arg8[%swap3A_293, %swap3A_294], %add3A_291 {strides = array<i32>} : memref<8x16xi32, #tpu.memory_space<vmem>>, vector<16xi32>,
      %get3A_296 = arith.constant 1 : i32
      %get3A_297 = arith.index_cast %get3A_296 : i32 to index
      %get3A_298 = arith.constant 0 : index
      %get3A_299 = tpu.vector_load %arg8[%get3A_297, %get3A_298] {strides = array<i32>} : memref<8x16xi32, #tpu.memory_space<vmem>>, vector<16xi32>,
      tpu.vector_store_idx %arg5[%get3A_299], %broadcast_in_dim3A_233 : memref<52000xf32, #tpu.memory_space<vmem>>[vector<16xi32>], vector<16xf32>,
      %add3A_300 = vector.broadcast %mul3A_278 : i32 to vector<16xi32>
      %add3A_301 = arith.addi %add3A_300, %select_n3A_87 : vector<16xi32>
      %gather3A_302 = tpu.vector_load_idx %arg7[%add3A_301, %select_n3A_109] : memref<128x26xi32, #tpu.memory_space<vmem>>[vector<16xi32>, vector<16xi32>], vector<16xi32>,
      %mul3A_303 = arith.constant 26000 : i32
      %mul3A_304 = vector.broadcast %mul3A_303 : i32 to vector<16xi32>
      %mul3A_305 = arith.muli %select_n3A_87, %mul3A_304 : vector<16xi32>
      %mul3A_306 = arith.constant 1000 : i32
      %mul3A_307 = vector.broadcast %mul3A_306 : i32 to vector<16xi32>
      %mul3A_308 = arith.muli %select_n3A_109, %mul3A_307 : vector<16xi32>
      %add3A_309 = arith.addi %mul3A_305, %mul3A_308 : vector<16xi32>
      %add3A_310 = arith.addi %add3A_309, %gather3A_302 : vector<16xi32>
      tpu.vector_store_idx %arg5[%add3A_310], %broadcast_in_dim3A_231 : memref<52000xf32, #tpu.memory_space<vmem>>[vector<16xi32>], vector<16xf32>,
      %swap3A_311 = arith.constant 1 : i32
      %swap3A_312 = arith.index_cast %swap3A_311 : i32 to index
      %swap3A_313 = arith.constant 0 : index
      %swap3A_314 = tpu.vector_load %arg8[%swap3A_312, %swap3A_313] {strides = array<i32>} : memref<8x16xi32, #tpu.memory_space<vmem>>, vector<16xi32>,
      tpu.vector_store %arg8[%swap3A_312, %swap3A_313], %add3A_310 {strides = array<i32>} : memref<8x16xi32, #tpu.memory_space<vmem>>, vector<16xi32>,
      %get3A_315 = arith.constant 2 : i32
      %get3A_316 = arith.index_cast %get3A_315 : i32 to index
      %get3A_317 = arith.constant 0 : index
      %get3A_318 = tpu.vector_load %arg8[%get3A_316, %get3A_317] {strides = array<i32>} : memref<8x16xi32, #tpu.memory_space<vmem>>, vector<16xi32>,
      tpu.vector_store_idx %arg5[%get3A_318], %broadcast_in_dim3A_233 : memref<52000xf32, #tpu.memory_space<vmem>>[vector<16xi32>], vector<16xf32>,
      %add3A_319 = vector.broadcast %mul3A_278 : i32 to vector<16xi32>
      %add3A_320 = arith.addi %add3A_319, %select_n3A_146 : vector<16xi32>
      %gather3A_321 = tpu.vector_load_idx %arg7[%add3A_320, %select_n3A_168] : memref<128x26xi32, #tpu.memory_space<vmem>>[vector<16xi32>, vector<16xi32>], vector<16xi32>,
      %mul3A_322 = arith.constant 26000 : i32
      %mul3A_323 = vector.broadcast %mul3A_322 : i32 to vector<16xi32>
      %mul3A_324 = arith.muli %select_n3A_146, %mul3A_323 : vector<16xi32>
      %mul3A_325 = arith.constant 1000 : i32
      %mul3A_326 = vector.broadcast %mul3A_325 : i32 to vector<16xi32>
      %mul3A_327 = arith.muli %select_n3A_168, %mul3A_326 : vector<16xi32>
      %add3A_328 = arith.addi %mul3A_324, %mul3A_327 : vector<16xi32>
      %add3A_329 = arith.addi %add3A_328, %gather3A_321 : vector<16xi32>
      tpu.vector_store_idx %arg5[%add3A_329], %broadcast_in_dim3A_231 : memref<52000xf32, #tpu.memory_space<vmem>>[vector<16xi32>], vector<16xf32>,
      %swap3A_330 = arith.constant 2 : i32
      %swap3A_331 = arith.index_cast %swap3A_330 : i32 to index
      %swap3A_332 = arith.constant 0 : index
      %swap3A_333 = tpu.vector_load %arg8[%swap3A_331, %swap3A_332] {strides = array<i32>} : memref<8x16xi32, #tpu.memory_space<vmem>>, vector<16xi32>,
      tpu.vector_store %arg8[%swap3A_331, %swap3A_332], %add3A_329 {strides = array<i32>} : memref<8x16xi32, #tpu.memory_space<vmem>>, vector<16xi32>,
      %get3A_334 = arith.constant 3 : i32
      %get3A_335 = arith.index_cast %get3A_334 : i32 to index
      %get3A_336 = arith.constant 0 : index
      %get3A_337 = tpu.vector_load %arg8[%get3A_335, %get3A_336] {strides = array<i32>} : memref<8x16xi32, #tpu.memory_space<vmem>>, vector<16xi32>,
      tpu.vector_store_idx %arg5[%get3A_337], %broadcast_in_dim3A_233 masked %lt3A_174 : memref<52000xf32, #tpu.memory_space<vmem>>[vector<16xi32>], vector<16xf32>, vector<16xi1>
      %add3A_338 = vector.broadcast %mul3A_278 : i32 to vector<16xi32>
      %add3A_339 = arith.addi %add3A_338, %select_n3A_208 : vector<16xi32>
      %gather3A_340 = tpu.vector_load_idx %arg7[%add3A_339, %select_n3A_230] masked %lt3A_174 : memref<128x26xi32, #tpu.memory_space<vmem>>[vector<16xi32>, vector<16xi32>], vector<16xi32>, vector<16xi1>
      %mul3A_341 = arith.constant 26000 : i32
      %mul3A_342 = vector.broadcast %mul3A_341 : i32 to vector<16xi32>
      %mul3A_343 = arith.muli %select_n3A_208, %mul3A_342 : vector<16xi32>
      %mul3A_344 = arith.constant 1000 : i32
      %mul3A_345 = vector.broadcast %mul3A_344 : i32 to vector<16xi32>
      %mul3A_346 = arith.muli %select_n3A_230, %mul3A_345 : vector<16xi32>
      %add3A_347 = arith.addi %mul3A_343, %mul3A_346 : vector<16xi32>
      %add3A_348 = arith.addi %add3A_347, %gather3A_340 : vector<16xi32>
      %jit3A_349 = arith.constant 0 : i32
      %broadcast_in_dim3A_350 = vector.broadcast %jit3A_349 : i32 to vector<16xi32>
      %select_n3A_351 = arith.select %lt3A_174, %add3A_348, %broadcast_in_dim3A_350 : vector<16xi1>, vector<16xi32>
      tpu.vector_store_idx %arg5[%select_n3A_351], %broadcast_in_dim3A_231 masked %lt3A_174 : memref<52000xf32, #tpu.memory_space<vmem>>[vector<16xi32>], vector<16xf32>, vector<16xi1>
      %swap3A_352 = arith.constant 3 : i32
      %swap3A_353 = arith.index_cast %swap3A_352 : i32 to index
      %swap3A_354 = arith.constant 0 : index
      %swap3A_355 = tpu.vector_load %arg8[%swap3A_353, %swap3A_354] {strides = array<i32>} : memref<8x16xi32, #tpu.memory_space<vmem>>, vector<16xi32>,
      tpu.vector_store %arg8[%swap3A_353, %swap3A_354], %select_n3A_351 {strides = array<i32>} : memref<8x16xi32, #tpu.memory_space<vmem>>, vector<16xi32>,
      %add3A_356 = arith.addi %mul3A_2, %mul3A_278 : i32
      %mul3A_357 = arith.constant 26000 : i32
      %mul3A_358 = arith.muli %add3A_356, %mul3A_357 : i32
      %dma_start3A = tpu.memref_slice %arg4[%mul3A_358] : memref<106496000xf32, #tpu.memory_space<hbm>> -> memref<52000xf32, #tpu.memory_space<hbm>>
      %dma_start3A_359 = tpu.memref_slice %arg4[%mul3A_358] : memref<106496000xf32, #tpu.memory_space<hbm>> -> memref<52000xf32, #tpu.memory_space<hbm>>
      tpu.enqueue_dma source(%arg5 : memref<52000xf32, #tpu.memory_space<vmem>>) target(%dma_start3A_359 : memref<52000xf32, #tpu.memory_space<hbm>>) target_semaphore(%arg9 : memref<!tpu.dma_semaphore, #tpu.memory_space<semaphore_mem>>)
      %mul3A_360 = arith.constant 2 : i32
      %mul3A_361 = arith.muli %mul3A_360, %scan3A_272 : i32
      %add3A_362 = arith.constant 1 : i32
      %add3A_363 = arith.addi %mul3A_361, %add3A_362 : i32
      %mul3A_364 = arith.constant 2 : i32
      %mul3A_365 = arith.muli %add3A_363, %mul3A_364 : i32
      tpu.wait_dma2 semaphore(%arg10 : memref<!tpu.dma_semaphore, #tpu.memory_space<semaphore_mem>>) src(%arg3 : memref<52000xf32, #tpu.memory_space<hbm>>) dst(%arg6 : memref<52000xf32, #tpu.memory_space<vmem>>)
      %get3A_366 = arith.constant 4 : i32
      %get3A_367 = arith.index_cast %get3A_366 : i32 to index
      %get3A_368 = arith.constant 0 : index
      %get3A_369 = tpu.vector_load %arg8[%get3A_367, %get3A_368] {strides = array<i32>} : memref<8x16xi32, #tpu.memory_space<vmem>>, vector<16xi32>,
      tpu.vector_store_idx %arg6[%get3A_369], %broadcast_in_dim3A_233 : memref<52000xf32, #tpu.memory_space<vmem>>[vector<16xi32>], vector<16xf32>,
      %add3A_370 = vector.broadcast %mul3A_365 : i32 to vector<16xi32>
      %add3A_371 = arith.addi %add3A_370, %select_n3A : vector<16xi32>
      %gather3A_372 = tpu.vector_load_idx %arg7[%add3A_371, %select_n3A_50] : memref<128x26xi32, #tpu.memory_space<vmem>>[vector<16xi32>, vector<16xi32>], vector<16xi32>,
      %mul3A_373 = arith.constant 26000 : i32
      %mul3A_374 = vector.broadcast %mul3A_373 : i32 to vector<16xi32>
      %mul3A_375 = arith.muli %select_n3A, %mul3A_374 : vector<16xi32>
      %mul3A_376 = arith.constant 1000 : i32
      %mul3A_377 = vector.broadcast %mul3A_376 : i32 to vector<16xi32>
      %mul3A_378 = arith.muli %select_n3A_50, %mul3A_377 : vector<16xi32>
      %add3A_379 = arith.addi %mul3A_375, %mul3A_378 : vector<16xi32>
      %add3A_380 = arith.addi %add3A_379, %gather3A_372 : vector<16xi32>
      tpu.vector_store_idx %arg6[%add3A_380], %broadcast_in_dim3A_231 : memref<52000xf32, #tpu.memory_space<vmem>>[vector<16xi32>], vector<16xf32>,
      %swap3A_381 = arith.constant 4 : i32
      %swap3A_382 = arith.index_cast %swap3A_381 : i32 to index
      %swap3A_383 = arith.constant 0 : index
      %swap3A_384 = tpu.vector_load %arg8[%swap3A_382, %swap3A_383] {strides = array<i32>} : memref<8x16xi32, #tpu.memory_space<vmem>>, vector<16xi32>,
      tpu.vector_store %arg8[%swap3A_382, %swap3A_383], %add3A_380 {strides = array<i32>} : memref<8x16xi32, #tpu.memory_space<vmem>>, vector<16xi32>,
      %get3A_385 = arith.constant 5 : i32
      %get3A_386 = arith.index_cast %get3A_385 : i32 to index
      %get3A_387 = arith.constant 0 : index
      %get3A_388 = tpu.vector_load %arg8[%get3A_386, %get3A_387] {strides = array<i32>} : memref<8x16xi32, #tpu.memory_space<vmem>>, vector<16xi32>,
      tpu.vector_store_idx %arg6[%get3A_388], %broadcast_in_dim3A_233 : memref<52000xf32, #tpu.memory_space<vmem>>[vector<16xi32>], vector<16xf32>,
      %add3A_389 = vector.broadcast %mul3A_365 : i32 to vector<16xi32>
      %add3A_390 = arith.addi %add3A_389, %select_n3A_87 : vector<16xi32>
      %gather3A_391 = tpu.vector_load_idx %arg7[%add3A_390, %select_n3A_109] : memref<128x26xi32, #tpu.memory_space<vmem>>[vector<16xi32>, vector<16xi32>], vector<16xi32>,
      %mul3A_392 = arith.constant 26000 : i32
      %mul3A_393 = vector.broadcast %mul3A_392 : i32 to vector<16xi32>
      %mul3A_394 = arith.muli %select_n3A_87, %mul3A_393 : vector<16xi32>
      %mul3A_395 = arith.constant 1000 : i32
      %mul3A_396 = vector.broadcast %mul3A_395 : i32 to vector<16xi32>
      %mul3A_397 = arith.muli %select_n3A_109, %mul3A_396 : vector<16xi32>
      %add3A_398 = arith.addi %mul3A_394, %mul3A_397 : vector<16xi32>
      %add3A_399 = arith.addi %add3A_398, %gather3A_391 : vector<16xi32>
      tpu.vector_store_idx %arg6[%add3A_399], %broadcast_in_dim3A_231 : memref<52000xf32, #tpu.memory_space<vmem>>[vector<16xi32>], vector<16xf32>,
      %swap3A_400 = arith.constant 5 : i32
      %swap3A_401 = arith.index_cast %swap3A_400 : i32 to index
      %swap3A_402 = arith.constant 0 : index
      %swap3A_403 = tpu.vector_load %arg8[%swap3A_401, %swap3A_402] {strides = array<i32>} : memref<8x16xi32, #tpu.memory_space<vmem>>, vector<16xi32>,
      tpu.vector_store %arg8[%swap3A_401, %swap3A_402], %add3A_399 {strides = array<i32>} : memref<8x16xi32, #tpu.memory_space<vmem>>, vector<16xi32>,
      %get3A_404 = arith.constant 6 : i32
      %get3A_405 = arith.index_cast %get3A_404 : i32 to index
      %get3A_406 = arith.constant 0 : index
      %get3A_407 = tpu.vector_load %arg8[%get3A_405, %get3A_406] {strides = array<i32>} : memref<8x16xi32, #tpu.memory_space<vmem>>, vector<16xi32>,
      tpu.vector_store_idx %arg6[%get3A_407], %broadcast_in_dim3A_233 : memref<52000xf32, #tpu.memory_space<vmem>>[vector<16xi32>], vector<16xf32>,
      %add3A_408 = vector.broadcast %mul3A_365 : i32 to vector<16xi32>
      %add3A_409 = arith.addi %add3A_408, %select_n3A_146 : vector<16xi32>
      %gather3A_410 = tpu.vector_load_idx %arg7[%add3A_409, %select_n3A_168] : memref<128x26xi32, #tpu.memory_space<vmem>>[vector<16xi32>, vector<16xi32>], vector<16xi32>,
      %mul3A_411 = arith.constant 26000 : i32
      %mul3A_412 = vector.broadcast %mul3A_411 : i32 to vector<16xi32>
      %mul3A_413 = arith.muli %select_n3A_146, %mul3A_412 : vector<16xi32>
      %mul3A_414 = arith.constant 1000 : i32
      %mul3A_415 = vector.broadcast %mul3A_414 : i32 to vector<16xi32>
      %mul3A_416 = arith.muli %select_n3A_168, %mul3A_415 : vector<16xi32>
      %add3A_417 = arith.addi %mul3A_413, %mul3A_416 : vector<16xi32>
      %add3A_418 = arith.addi %add3A_417, %gather3A_410 : vector<16xi32>
      tpu.vector_store_idx %arg6[%add3A_418], %broadcast_in_dim3A_231 : memref<52000xf32, #tpu.memory_space<vmem>>[vector<16xi32>], vector<16xf32>,
      %swap3A_419 = arith.constant 6 : i32
      %swap3A_420 = arith.index_cast %swap3A_419 : i32 to index
      %swap3A_421 = arith.constant 0 : index
      %swap3A_422 = tpu.vector_load %arg8[%swap3A_420, %swap3A_421] {strides = array<i32>} : memref<8x16xi32, #tpu.memory_space<vmem>>, vector<16xi32>,
      tpu.vector_store %arg8[%swap3A_420, %swap3A_421], %add3A_418 {strides = array<i32>} : memref<8x16xi32, #tpu.memory_space<vmem>>, vector<16xi32>,
      %get3A_423 = arith.constant 7 : i32
      %get3A_424 = arith.index_cast %get3A_423 : i32 to index
      %get3A_425 = arith.constant 0 : index
      %get3A_426 = tpu.vector_load %arg8[%get3A_424, %get3A_425] {strides = array<i32>} : memref<8x16xi32, #tpu.memory_space<vmem>>, vector<16xi32>,
      tpu.vector_store_idx %arg6[%get3A_426], %broadcast_in_dim3A_233 masked %lt3A_174 : memref<52000xf32, #tpu.memory_space<vmem>>[vector<16xi32>], vector<16xf32>, vector<16xi1>
      %add3A_427 = vector.broadcast %mul3A_365 : i32 to vector<16xi32>
      %add3A_428 = arith.addi %add3A_427, %select_n3A_208 : vector<16xi32>
      %gather3A_429 = tpu.vector_load_idx %arg7[%add3A_428, %select_n3A_230] masked %lt3A_174 : memref<128x26xi32, #tpu.memory_space<vmem>>[vector<16xi32>, vector<16xi32>], vector<16xi32>, vector<16xi1>
      %mul3A_430 = arith.constant 26000 : i32
      %mul3A_431 = vector.broadcast %mul3A_430 : i32 to vector<16xi32>
      %mul3A_432 = arith.muli %select_n3A_208, %mul3A_431 : vector<16xi32>
      %mul3A_433 = arith.constant 1000 : i32
      %mul3A_434 = vector.broadcast %mul3A_433 : i32 to vector<16xi32>
      %mul3A_435 = arith.muli %select_n3A_230, %mul3A_434 : vector<16xi32>
      %add3A_436 = arith.addi %mul3A_432, %mul3A_435 : vector<16xi32>
      %add3A_437 = arith.addi %add3A_436, %gather3A_429 : vector<16xi32>
      %jit3A_438 = arith.constant 0 : i32
      %broadcast_in_dim3A_439 = vector.broadcast %jit3A_438 : i32 to vector<16xi32>
      %select_n3A_440 = arith.select %lt3A_174, %add3A_437, %broadcast_in_dim3A_439 : vector<16xi1>, vector<16xi32>
      tpu.vector_store_idx %arg6[%select_n3A_440], %broadcast_in_dim3A_231 masked %lt3A_174 : memref<52000xf32, #tpu.memory_space<vmem>>[vector<16xi32>], vector<16xf32>, vector<16xi1>
      %swap3A_441 = arith.constant 7 : i32
      %swap3A_442 = arith.index_cast %swap3A_441 : i32 to index
      %swap3A_443 = arith.constant 0 : index
      %swap3A_444 = tpu.vector_load %arg8[%swap3A_442, %swap3A_443] {strides = array<i32>} : memref<8x16xi32, #tpu.memory_space<vmem>>, vector<16xi32>,
      tpu.vector_store %arg8[%swap3A_442, %swap3A_443], %select_n3A_440 {strides = array<i32>} : memref<8x16xi32, #tpu.memory_space<vmem>>, vector<16xi32>,
      %add3A_445 = arith.addi %mul3A_2, %mul3A_365 : i32
      %mul3A_446 = arith.constant 26000 : i32
      %mul3A_447 = arith.muli %add3A_445, %mul3A_446 : i32
      %dma_start3A_448 = tpu.memref_slice %arg4[%mul3A_447] : memref<106496000xf32, #tpu.memory_space<hbm>> -> memref<52000xf32, #tpu.memory_space<hbm>>
      %dma_start3A_449 = tpu.memref_slice %arg4[%mul3A_447] : memref<106496000xf32, #tpu.memory_space<hbm>> -> memref<52000xf32, #tpu.memory_space<hbm>>
      tpu.enqueue_dma source(%arg6 : memref<52000xf32, #tpu.memory_space<vmem>>) target(%dma_start3A_449 : memref<52000xf32, #tpu.memory_space<hbm>>) target_semaphore(%arg10 : memref<!tpu.dma_semaphore, #tpu.memory_space<semaphore_mem>>)
    }
    %scan3A_271 = arith.constant 32 : i32
    tpu.wait_dma2 semaphore(%arg9 : memref<!tpu.dma_semaphore, #tpu.memory_space<semaphore_mem>>) src(%arg3 : memref<52000xf32, #tpu.memory_space<hbm>>) dst(%arg5 : memref<52000xf32, #tpu.memory_space<vmem>>)
    tpu.wait_dma2 semaphore(%arg10 : memref<!tpu.dma_semaphore, #tpu.memory_space<semaphore_mem>>) src(%arg3 : memref<52000xf32, #tpu.memory_space<hbm>>) dst(%arg6 : memref<52000xf32, #tpu.memory_space<vmem>>)
    return
  }
}

</mosaic_0001>

<sc_bundles>
// kernel: kernel.3.cloned.1.call-start
scs
__scs_entry_jumppad:
0x0: {  	(pc) =	sbr.rel $0x88, $3  }
0x1: {  	(tag) =	ssettag $0x0;
	lr =	simm.s32 $0x1  }
0x2: {  	[smem:$0x3FA0] =	sst lr;
	_ =	strace $0xD0000000  }
0x3: {  	_ = 	snop  }
0x4: {  	_ = 	snop  }
0x5: {  	_ = 	snop  }
0x6: {  	_ = 	snop  }
0x7: {  	_ = 	snop  }
__scs_overlays_trampoline_lowered:
0x8: {  	[smem:$0x3FAF] =	sst s0  }
0x9: {  	[smem:$0x3FB0] =	sst s1  }
0xa: {  	[smem:$0x3FB1] =	sst s2  }
0xb: {  	[smem:$0x3FB2] =	sst s3  }
0xc: {  	[smem:$0x3FB3] =	sst s4  }
0xd: {  	[smem:$0x3FB4] =	sst s5  }
0xe: {  	[smem:$0x3FB5] =	sst s6  }
0xf: {  	[smem:$0x3FB6] =	sst s7  }
0x10: {  	[smem:$0x3FB7] =	sst s8  }
0x11: {  	[smem:$0x3FB8] =	sst s9;
	s0 =	simm.s32 @!p0 $0x0  }
0x12: {  	s1 =	sld [smem:$0x3F9E];
	s0 =	simm.s32 @p0 $0x1  }
0x13: {  	[smem:$0x3FB9] =	sst s0;
	s0 =	simm.s32 @!p1 $0x0  }
0x14: {  	s2 =	sld [smem:$0x3F9D];
	s0 =	simm.s32 @p1 $0x1  }
0x15: {  	[smem:$0x3FBA] =	sst s0;
	s0 =	simm.s32 @!p2 $0x0  }
0x16: {  	s3 =	sld [smem:$0x3FDB];
	s0 =	simm.s32 @p2 $0x1  }
0x17: {  	s4 =	simm.s32 $0x1BF5;
	[smem:$0x3FBC] =	sst s0  }
0x18: {  	s0 =	sld [smem:$0x3F9F];
	_ =	swait.ge [sflag:s4], $0x0  }
0x19: {  	s7 =	sld [smem:$0x3FA0]  }
0x1a: {  	s8 =	sadd.s32 $0xFFFFE003, lr  }
0x1b: {  	s9 =	sadd.s32 $0xFFFFFEF7, lr;
	s5 =	simm.s32 $0xFFFFFFFF;
	p2 =	slt.u32 s8, $0xFFFFF086  }
0x1c: {  	p1 =	slt.u32 s9, $0xF7A;
	s5 =	simm.s32 @!p2 $0x0  }
0x1d: {  	s5 =	simm.s32 @p1 $0x1;
	p0 =	seq.s32 s7, s2  }
0x1e: {  	s7 =	smul.u32 @!p0 $0xF7A, s2;
	p2 =	seq.s32 @!p0 s5, $0x0  }
0x1f: {  	s9 =	smul.u32 $0xF7A, s1;
	s8 =	simm.s32 @!p0 $0x1BF5;
	p2 =	por !p2, p0  }
0x20: {  	[sflag:s8] =	ssyncset.s32 @!p0 $0xFFFFF086;
	s6 =	sadd.s32 @!p0 s3, s7;
	s7 =	simm.s32 @!p0 $0x108  }
0x21: {  	s3 =	sadd.s32 s3, s9;
	s6 =	sadd.s32 @!p0 $0x88, s6;
	s7 =	simm.s32 @p2 $0x1082  }
0x22: {  	[simem:s7], [sflag:s8] =	dma.local @!p0 [hbm:s6], $0xF7A  }
0x23: {  	s9 =	sor.u32 $0xD0000000, s2;
	s6 =	simm.s32 $0x108;
	_ =	swait.ge @!p0 [sflag:s8], $0x0  }
0x24: {  	s3 =	sadd.s32 $0x88, s3;
	s6 =	simm.s32 @!p1 $0x1082;
	[sflag:s4] =	ssyncset.s32 $0xFFFFF086  }
0x25: {  	[simem:s6], [sflag:s4] =	dma.local [hbm:s3], $0xF7A  }
0x26: {  	[smem:$0x3FA0] =	sst s1;
	(tag) =	ssettag s2;
	_ =	strace s9  }
0x27: {  	s1 =	sld [smem:$0x3FB0]  }
0x28: {  	s2 =	sld [smem:$0x3FB1]  }
0x29: {  	s4 =	sld [smem:$0x3FB3]  }
0x2a: {  	p0 =	seq.s32 s5, $0x0;
	s5 =	sld [smem:$0x3FB4]  }
0x2b: {  	s6 =	sld [smem:$0x3FB5]  }
0x2c: {  	s7 =	sld [smem:$0x3FB6]  }
0x2d: {  	s3 =	simm.s32 $0x108;
	s8 =	sld [smem:$0x3FB7]  }
0x2e: {  	s3 =	simm.s32 @!p0 $0x1082;
	s9 =	sld [smem:$0x3FB8]  }
0x2f: {  	lr =	sadd.s32 s0, s3;
	s0 =	sld [smem:$0x3FAF]  }
0x30: {  	s3 =	sld [smem:$0x3FB2]  }
0x31: {  	[smem:$0x3FBB] =	sst s10  }
0x32: {  	s10 =	sld [smem:$0x3FB9];
	_ =	sdelay $0x3  }
0x33: {  	p0 =	seq.s32 s10, $0x1;
	s10 =	sld [smem:$0x3FBB];
	_ =	sdelay $0x3  }
0x34: {  	[smem:$0x3FBB] =	sst s10  }
0x35: {  	s10 =	sld [smem:$0x3FBA];
	_ =	sdelay $0x3  }
0x36: {  	p1 =	seq.s32 s10, $0x1;
	s10 =	sld [smem:$0x3FBB];
	_ =	sdelay $0x3  }
0x37: {  	[smem:$0x3FBB] =	sst s10  }
0x38: {  	s10 =	sld [smem:$0x3FBC]  }
0x39: {  	_ = 	snop;
	(pc) =	sbr.ind lr, $3  }
0x3a: {  	_ = 	snop  }
0x3b: {  	_ = 	snop  }
0x3c: {  	p2 =	seq.s32 s10, $0x1;
	s10 =	sld [smem:$0x3FBB]  }
0x3d: {  	_ =	shalt  }
0x3e: {  	_ =	shalt  }
0x3f: {  	_ =	shalt  }
0x40: {  	_ =	shalt  }
0x41: {  	_ =	shalt  }
0x42: {  	_ =	shalt  }
0x43: {  	_ =	shalt  }
0x44: {  	_ =	shalt  }
0x45: {  	_ =	shalt  }
0x46: {  	_ =	shalt  }
0x47: {  	_ =	shalt  }
0x48: {  	_ =	shalt  }
0x49: {  	_ =	shalt  }
0x4a: {  	_ =	shalt  }
0x4b: {  	_ =	shalt  }
0x4c: {  	_ =	shalt  }
0x4d: {  	_ =	shalt  }
0x4e: {  	_ =	shalt  }
0x4f: {  	_ =	shalt  }
0x50: {  	_ =	shalt  }
0x51: {  	_ =	shalt  }
0x52: {  	_ =	shalt  }
0x53: {  	_ =	shalt  }
0x54: {  	_ =	shalt  }
0x55: {  	_ =	shalt  }
0x56: {  	_ =	shalt  }
0x57: {  	_ =	shalt  }
0x58: {  	_ =	shalt  }
0x59: {  	_ =	shalt  }
0x5a: {  	_ =	shalt  }
0x5b: {  	_ =	shalt  }
0x5c: {  	_ =	shalt  }
0x5d: {  	_ =	shalt  }
0x5e: {  	_ =	shalt  }
0x5f: {  	_ =	shalt  }
0x60: {  	_ =	shalt  }
0x61: {  	_ =	shalt  }
0x62: {  	_ =	shalt  }
0x63: {  	_ =	shalt  }
0x64: {  	_ =	shalt  }
0x65: {  	_ =	shalt  }
0x66: {  	_ =	shalt  }
0x67: {  	_ =	shalt  }
0x68: {  	_ =	shalt  }
0x69: {  	_ =	shalt  }
0x6a: {  	_ =	shalt  }
0x6b: {  	_ =	shalt  }
0x6c: {  	_ =	shalt  }
0x6d: {  	_ =	shalt  }
0x6e: {  	_ =	shalt  }
0x6f: {  	_ =	shalt  }
0x70: {  	_ =	shalt  }
0x71: {  	_ =	shalt  }
0x72: {  	_ =	shalt  }
0x73: {  	_ =	shalt  }
0x74: {  	_ =	shalt  }
0x75: {  	_ =	shalt  }
0x76: {  	_ =	shalt  }
0x77: {  	_ =	shalt  }
0x78: {  	_ =	shalt  }
0x79: {  	_ =	shalt  }
0x7a: {  	_ =	shalt  }
0x7b: {  	_ =	shalt  }
0x7c: {  	_ =	shalt  }
0x7d: {  	_ =	shalt  }
0x7e: {  	_ =	shalt  }
0x7f: {  	_ =	shalt  }
0x80: {  	_ =	shalt  }
0x81: {  	_ =	shalt  }
0x82: {  	_ =	shalt  }
0x83: {  	_ =	shalt  }
0x84: {  	_ =	shalt  }
0x85: {  	_ =	shalt  }
0x86: {  	_ =	shalt  }
0x87: {  	_ =	shalt  }
.Lfunc_end0:
.L_simem_size_0:
called_computation.1_lowered:
.L_overlay_start_0:
0x88: {  	s2 =	sld [smem:$0x3FD9]  }
0x89: {  	s3 =	sld [smem:$0x3FFE];
	_ =	sdelay $0x1  }
0x8a: {  	s1 =	srdreg.scid  }
0x8b: {  	s0 =	sand.u32 $0x1, s1  }
0x8c: {  	s17 =	sshll.u32 s0, $0xA;
	s2 =	sadd.s32 s3, s2  }
0x8d: {  	s2 =	sadd.s32 s2, s17  }
0x8e: {  	[smem:$0x3FC7] =	sst s2  }
0x8f: {  	_ = 	snop  }
0x90: {  	s2 =	sld [smem:$0x3FD0];
	(tm) =	ssettm $0x1  }
0x91: {  	s18 =	sld [smem:$0x3FFB];
	_ =	sdelay $0x3  }
0x92: {  	_ =	strace s18  }
0x93: {  	s3 =	sld [smem:$0x3FFC];
	_ =	sdelay $0x3  }
0x94: {  	_ =	strace s3  }
0x95: {  	s3 =	sld [smem:$0x3FFD];
	_ =	sdelay $0x3  }
0x96: {  	_ =	strace s3  }
0x97: {  	_ =	strace $0x8FFFFFFF  }
0x98: {  	s19 =	sld [smem:$0x3FDB];
	_ =	sdelay $0x1  }
0x99: {  	s4 =	simm.s32 $_scs_section_size  }
0x9a: {  	s5 =	simm.s32 $_size__tile_overlayer_lowered;
	s6 =	simm.s32 $_tile_overlayer_lowered  }
0x9b: {  	s22 =	simm.s32 $0x1BFF;
	s21 =	sshll.u32 s6, $0x1;
	s3 =	sadd.s32 s4, s19  }
0x9c: {  	s7 =	simm.s32 $0x0;
	s20 =	sshll.u32 s5, $0x1;
	s5 =	sadd.s32 s21, s3  }
0x9d: {  	[timem:s7], [sflag:s22] =	dma.local [hbm:s5], s20  }
0x9e: {  	_ =	swait.ge [sflag:s22], s20  }
0x9f: {  	s4 =	ssub.s32 $0x0, s20;
	[sflag:s22] =	ssyncset.done $0x0  }
0xa0: {  	[sflag:s22] =	ssyncadd.s32 s4;
	_ =	sdelay $0x1  }
0xa1: {  	s23 =	simm.s32 $0x1B8B  }
0xa2: {  	_ =	swait.ge [sflag:s23], $0x1  }
0xa3: {  	[sflag:s23] =	ssyncset.done $0x0  }
0xa4: {  	s25 =	simm.s32 $0x1B8E;
	s24 =	sld [smem:$0x3FFE];
	[sflag:s23] =	ssyncadd.s32 $0xFFFFFFFF  }
0xa5: {  	s26 =	simm.s32 $execute0_lowered;
	[smem:$0x3FD2] =	sst s25  }
0xa6: {  	s5 =	sshll.u32 s26, $0x1;
	_ =	strace $0x80000046;
	[dreg:$0x1] =	wrdreg $0xFFFFFFFF  }
0xa7: {  	s28 =	simm.s32 $_size_execute0_lowered;
	s3 =	sadd.s32 s3, s5;
	[dreg:$0x0] =	wrdreg $0x0  }
0xa8: {  	s5 =	sshll.u32 s28, $0x1;
	[dreg:$0x2] =	wrdreg s3  }
0xa9: {  	[dreg:$0x3] =	wrdreg s5  }
0xaa: {  	[dreg:$0x4] =	wrdreg $0xC0  }
0xab: {  	_ =	task [dreg:s7], $0x5FFFF  }
0xac: {  	[dreg:$0x1] =	wrdreg $0xFFFFFFFF  }
0xad: {  	[dreg:$0x0] =	wrdreg $0x60  }
0xae: {  	[dreg:$0x2] =	wrdreg s24  }
0xaf: {  	[dreg:$0x3] =	wrdreg s2  }
0xb0: {  	[dreg:$0x4] =	wrdreg $0x9  }
0xb1: {  	_ =	task.clear_ibuf [dreg:s7], $0x5FFFF;
	_ =	strace $0x90000046  }
0xb2: {  	s29 =	simm.s32 $0x9;
	_ =	strace $0x80000048  }
0xb3: {  	_ =	swait.ge [sflag:s29], $0x1  }
0xb4: {  	[sflag:s29] =	ssyncadd.s32 $0xFFFFFFFF  }
0xb5: {  	_ =	strace $0x90000048  }
0xb6: {  	_ =	sfence  }
0xb7: {  	s30 =	sld [smem:$0x0];
	_ =	sdelay $0x2  }
0xb8: {  	s31 =	sshll.u32 s1, $0xD;
	s1 =	sshrl.u32 s1, $0x2  }
0xb9: {  	s3 =	sand.u32 $0x4000, s31;
	s1 =	sadd.s32 s1, s30  }
0xba: {  	s0 =	sor.u32 s3, s0;
	s1 =	sshll.u32 s1, $0x11  }
0xbb: {  	s0 =	sor.u32 s1, s0  }
0xbc: {  	s0 =	sadd.s32 $0x8F2B, s0  }
0xbd: {  	[sflag:s0] =	ssyncadd.remote.s32 $0x1  }
0xbe: {  	_ =	sfence.sel $0xFFFF  }
0xbf: {  	[dreg:$0x0] =	wrdreg $0xFFFFFFFF;
	(pc) =	sbr.abs _section_cstart, $3  }
0xc0: {  	[dreg:$0x1] =	wrdreg $0xFFFFFFFF  }
0xc1: {  	_ =	task.clear_ibuf [dreg:s7], $0x2FFFF;
	_ =	strace $0x9FFFFFFF  }
0xc2: {  	(tm) =	ssettm $0x7FFFFFFF  }
0xc3: {  	_ =	shalt  }
tec
execute0_lowered:
.L_overlay_start_1:
0x0: {  	(tag) =	ssettag $0x1  }
0x1: {  	s3 =	rddreg [dreg:$0x0]  }
0x2: {  	s4 =	rddreg [dreg:$0x1];
	v0 =	vimm.s32 $0x0;
	v1 =	vimm.f32 $0.0e+00  }
0x3: {  	s0 =	rddreg [dreg:$0x2];
	s1 =	simm.s32 $0x0;
	s5 =	srdreg.scid;
	v2 =	vimm.s32 $0x20;
	vm0 =	vcmask $0x2700;
	v4 =	vimm.s32 $0x1001918  }
0x4: {  	s2 =	stileid.u32;
	v3 =	vlaneseq.u32;
	v5 =	vimm.s32 $0x13121110;
	v7 =	vimm.s32 $0x17161514;
	s10 =	simm.s32 $0x1;
	s11 =	simm.s32 $0x2  }
0x5: {  	vm1 =	vcmask $0xF00;
	s12 =	simm.s32 $0x0;
	[smem:$0x7FF] =	sst s1;
	s5 =	sand.u32 $0x1, s5;
	v6 =	vunpack.c.0.s8.s32 v4;
	v4 =	vimm.s32 $0x5040302  }
0x6: {  	s6 =	sshll.u32 s2, $0x9;
	v2 =	vsel vm0, $0x0, v2;
	v9 =	vunpack.c.0.s8.s32 v5;
	s9 =	smul.u32 $0x65900, s2;
	s7 =	sshll.u32 s5, $0xD;
	v8 =	vunpack.c.0.s8.s32 v4  }
0x7: {  	v7 =	vunpack.c.0.s8.s32 v7;
	vm0 =	vcmask $0x1F10;
	s30 =	ssub.s32 $0x2, s5;
	s5 =	smul.u32 $0x659000, s5;
	v4 =	vmul.u32 $0x3E8, v3;
	s6 =	sor.u32 s6, s7  }
0x8: {  	v5 =	vimm.f32 $1.000000000e+00;
	_ =	strace $0x80000047;
	s8 =	sshrl.u32 s30, $0x1;
	s6 =	sadd.s32 s6, s3;
	v6 =	vsel vm0, v8, v6;
	v8 =	vimm.s32 $0x39383736  }
0x9: {  	v7 =	vsel vm0, v7, v9;
	s3 =	sadd.s32 $0x4800, s3;
	s7 =	ssub.s32 s30, s8;
	s31 =	sadd.s32 s5, s4;
	v9 =	vadd.s32 $0x7D00, v4;
	v10 =	vunpack.c.0.s8.s32 v8  }
0xa: {  	s8 =	simm.s32 $0x19640;
	vm0 =	vmmov $0xf;
	v11 =	vadd.s32 $0xBB80, v4;
	s4 =	sadd.s32 $0x800, s6;
	s5 =	smax.u32 s7, $0x1;
	v6 =	vcombine.low v7, v6  }
0xb: {  	s6 =	sadd.s32 s9, s31;
	v7 =	vadd.s32 $0x3E80, v4;
	s7 =	simm.s32 $0xCB20;
	s9 =	simm.s32 $0x3;
	v8 =	vadd.s32 $0x26, v3;
	v10 =	vnsel vm1, $0x39, v10  }
.LBB2_1:
0xc: {  	[tilespmem:s1], [sflag:$0x1] =	stream.linear.gather [hbm4b:s3+s1], $0xCB20, $0x38;
	[tilespmem:$0x1A6C0] =	vst v63  }
0xd: {  	_ = 	snop  }
0xe: {  	[tilespmem:s7], [sflag:$0x2] =	stream.linear.gather [hbm4b:s3+s1], $0xCB20, $0x38;
	[tilespmem:$0x1A6C0] =	vst v63  }
0xf: {  	_ = 	snop  }
0x10: {  	[tilespmem:s8], [sflag:$0x3] =	stream.linear.gather [hbm4b:s4+s1], $0x1000, $0x38;
	[tilespmem:$0x1A6C0] =	vst v63  }
0x11: {  	_ =	swait.ge [sflag:s9], $0x1000  }
0x12: {  	[sflag:s9] =	ssyncset.done $0x0  }
0x13: {  	[sflag:s9] =	ssyncadd.s32 $0xFFFFF000  }
0x14: {  	[tilespmem:$0x1A640] =	vst v0  }
0x15: {  	[tilespmem:$0x1A650] =	vst v0  }
0x16: {  	[tilespmem:$0x1A660] =	vst v0  }
0x17: {  	[tilespmem:$0x1A670] =	vst v0  }
0x18: {  	[tilespmem:$0x1A680] =	vst v0  }
0x19: {  	[tilespmem:$0x1A690] =	vst v0  }
0x1a: {  	[tilespmem:$0x1A6A0] =	vst v0  }
0x1b: {  	s13 =	smov.u32 s6;
	s14 =	simm.s32 $0x0;
	[tilespmem:$0x1A6B0] =	vst v0  }
.LBB2_2:
0x1c: {  	_ =	swait.ge [sflag:s10], $0xCB20  }
0x1d: {  	[sflag:s10] =	ssyncset.done $0x0  }
0x1e: {  	[sflag:s10] =	ssyncadd.s32 $0xFFFF34E0  }
0x1f: {  	v12 =	vld [tilespmem:$0x1A640];
	_ =	sdelay $0x1  }
0x20: {  	v13 =	vmov s14  }
0x21: {  	v13 =	vshll.u32 v13, $0x5  }
0x22: {  	v14 =	vor.u32 v3, v13;
	_ =	sdelay $0x3  }
0x23: {  	[tilespmem:v12+s1+$0x0] =	vst.idx.msk $0xffff, v1  }
0x24: {  	v12 =	vld.idx.msk [tilespmem:v14+s8+$0x0], $0xffff;
	_ =	sdelay $0x4  }
0x25: {  	v12 =	vadd.s32 v4, v12;
	_ =	sdelay $0x4  }
0x26: {  	[tilespmem:v12+s1+$0x0] =	vst.idx.msk $0xffff, v5  }
0x27: {  	v56 =	vld [tilespmem:$0x1A650];
	_ =	sdelay $0x2  }
0x28: {  	v15 =	vor.u32 v2, v13  }
0x29: {  	v15 =	vor.u32 v6, v15;
	_ =	sdelay $0x2  }
0x2a: {  	[tilespmem:$0x1A640] =	vst v12  }
0x2b: {  	[tilespmem:v56+s1+$0x0] =	vst.idx.msk $0xffff, v1  }
0x2c: {  	v12 =	vld.idx.msk [tilespmem:v15+s8+$0x0], $0xffff;
	_ =	sdelay $0x4  }
0x2d: {  	v12 =	vadd.s32 v7, v12;
	_ =	sdelay $0x4  }
0x2e: {  	[tilespmem:v12+s1+$0x0] =	vst.idx.msk $0xffff, v5  }
0x2f: {  	v14 =	vld [tilespmem:$0x1A660];
	_ =	sdelay $0x3  }
0x30: {  	v57 =	vor.u32 v8, v13;
	_ =	sdelay $0x2  }
0x31: {  	[tilespmem:$0x1A650] =	vst v12  }
0x32: {  	[tilespmem:v14+s1+$0x0] =	vst.idx.msk $0xffff, v1  }
0x33: {  	v12 =	vld.idx.msk [tilespmem:v57+s8+$0x0], $0xffff;
	_ =	sdelay $0x4  }
0x34: {  	v12 =	vadd.s32 v9, v12;
	_ =	sdelay $0x4  }
0x35: {  	[tilespmem:v12+s1+$0x0] =	vst.idx.msk $0xffff, v5  }
0x36: {  	v14 =	vld [tilespmem:$0x1A670];
	_ =	sdelay $0x3  }
0x37: {  	v13 =	vor.u32 v10, v13;
	_ =	sdelay $0x2  }
0x38: {  	[tilespmem:$0x1A660] =	vst v12  }
0x39: {  	[tilespmem:v14+s1+$0x0] =	vst.idx.msk $0xf, v1  }
0x3a: {  	v12 =	vld.idx.msk [tilespmem:v13+s8+$0x0], $0xf;
	_ =	sdelay $0x4  }
0x3b: {  	v12 =	vadd.s32 v11, v12  }
0x3c: {  	v12 =	vnsel vm0, $0x0, v12;
	_ =	sdelay $0x4  }
0x3d: {  	[tilespmem:v12+s1+$0x0] =	vst.idx.msk $0xf, v5  }
0x3e: {  	[tilespmem:$0x1A670] =	vst v12  }
0x3f: {  	[hbm4b:s13+s1] =	stream.linear.scatter [tilespmem:s1], [sflag:$0x1], $0xCB20, $0x38;
	[tilespmem:$0x1A6C0] =	vst v63  }
0x40: {  	_ =	swait.ge [sflag:s11], $0xCB20  }
0x41: {  	[sflag:s11] =	ssyncset.done $0x0  }
0x42: {  	[sflag:s11] =	ssyncadd.s32 $0xFFFF34E0  }
0x43: {  	v58 =	vld [tilespmem:$0x1A680]  }
0x44: {  	s15 =	sadd.s32 $0x2, s14  }
0x45: {  	v59 =	vmov s15  }
0x46: {  	v13 =	vshll.u32 v59, $0x5  }
0x47: {  	v60 =	vor.u32 v3, v13;
	_ =	sdelay $0x3  }
0x48: {  	[tilespmem:v58+s7+$0x0] =	vst.idx.msk $0xffff, v1  }
0x49: {  	v12 =	vld.idx.msk [tilespmem:v60+s8+$0x0], $0xffff;
	_ =	sdelay $0x4  }
0x4a: {  	v12 =	vadd.s32 v4, v12;
	_ =	sdelay $0x4  }
0x4b: {  	[tilespmem:v12+s7+$0x0] =	vst.idx.msk $0xffff, v5  }
0x4c: {  	v61 =	vld [tilespmem:$0x1A690];
	_ =	sdelay $0x2  }
0x4d: {  	v62 =	vor.u32 v2, v13  }
0x4e: {  	v15 =	vor.u32 v6, v62;
	_ =	sdelay $0x2  }
0x4f: {  	[tilespmem:$0x1A680] =	vst v12  }
0x50: {  	[tilespmem:v61+s7+$0x0] =	vst.idx.msk $0xffff, v1  }
0x51: {  	v12 =	vld.idx.msk [tilespmem:v15+s8+$0x0], $0xffff;
	_ =	sdelay $0x4  }
0x52: {  	v12 =	vadd.s32 v7, v12;
	_ =	sdelay $0x4  }
0x53: {  	[tilespmem:v12+s7+$0x0] =	vst.idx.msk $0xffff, v5  }
0x54: {  	v14 =	vld [tilespmem:$0x1A6A0];
	_ =	sdelay $0x3  }
0x55: {  	v63 =	vor.u32 v8, v13;
	_ =	sdelay $0x2  }
0x56: {  	[tilespmem:$0x1A690] =	vst v12  }
0x57: {  	[tilespmem:v14+s7+$0x0] =	vst.idx.msk $0xffff, v1  }
0x58: {  	v12 =	vld.idx.msk [tilespmem:v63+s8+$0x0], $0xffff;
	_ =	sdelay $0x4  }
0x59: {  	v12 =	vadd.s32 v9, v12;
	_ =	sdelay $0x4  }
0x5a: {  	[tilespmem:v12+s7+$0x0] =	vst.idx.msk $0xffff, v5  }
0x5b: {  	v14 =	vld [tilespmem:$0x1A6B0];
	_ =	sdelay $0x3  }
0x5c: {  	v13 =	vor.u32 v10, v13;
	_ =	sdelay $0x2  }
0x5d: {  	[tilespmem:$0x1A6A0] =	vst v12  }
0x5e: {  	[tilespmem:v14+s7+$0x0] =	vst.idx.msk $0xf, v1  }
0x5f: {  	v12 =	vld.idx.msk [tilespmem:v13+s8+$0x0], $0xf;
	_ =	sdelay $0x4  }
0x60: {  	v12 =	vadd.s32 v11, v12  }
0x61: {  	v12 =	vnsel vm0, $0x0, v12;
	_ =	sdelay $0x1  }
0x62: {  	p0 =	sne.s32 s14, $0x7C  }
.Ltmp0:
0x63: {  	_ = 	snop;
	(pc) =	sbr.rel @p0 .LBB2_2-.Ltmp0, $4  }
0x64: {  	_ = 	snop  }
0x65: {  	[tilespmem:v12+s7+$0x0] =	vst.idx.msk $0xf, v5  }
0x66: {  	s31 =	sadd.s32 $0x1964, s13;
	s14 =	sadd.s32 $0x4, s14;
	s13 =	sadd.s32 $0x32C8, s13;
	[tilespmem:$0x1A6B0] =	vst v12  }
0x67: {  	[hbm4b:s31+s1] =	stream.linear.scatter [tilespmem:s7], [sflag:$0x2], $0xCB20, $0x38;
	[tilespmem:$0x1A6C0] =	vst v63  }
0x68: {  	s12 =	sadd.s32 $0x1, s12  }
0x69: {  	_ =	swait.ge [sflag:s10], $0xCB20;
	p0 =	sne.s32 s12, s5  }
.Ltmp1:
0x6a: {  	[sflag:s10] =	ssyncset.done $0x0;
	(pc) =	sbr.rel @p0 .LBB2_1-.Ltmp1, $4  }
0x6b: {  	[sflag:s10] =	ssyncadd.s32 $0xFFFF34E0  }
0x6c: {  	_ =	swait.ge [sflag:s11], $0xCB20  }
0x6d: {  	[sflag:s11] =	ssyncset.done $0x0  }
0x6e: {  	[sflag:s11] =	ssyncadd.s32 $0xFFFF34E0  }
0x6f: {  	_ =	sfence.sel $0x180000  }
0x70: {  	[bflag:$0x0] =	sbarrier.arrive $0xFFFF  }
0x71: {  	p0 =	sne.s32 s2, $0x0;
	_ =	strace $0x90000047  }
0x72: {  	s0 =	sadd.s32 @!p0 $0x100000, s0;
	[bflag:$0x2] =	sbarrier.arrive $0xFFFF  }
0x73: {  	[sflag:s0] =	ssyncadd.tile.s32 @!p0 $0x1;
	_ =	shalt  }
.Lfunc_end2:
_tile_overlayer_lowered:
.L_overlay_start_2:
0x74: {  	(tag) =	ssettag $0x2  }
0x75: {  	s0 =	rddreg [dreg:$0x0];
	s2 =	stileid.u32  }
0x76: {  	s1 =	rddreg [dreg:$0x1];
	p0 =	sne.s32 s2, $0x0  }
0x77: {  	s3 =	rddreg [dreg:$0x2];
	[bflag:$0x3] =	sbarrier.arrive $0xFFFF;
	s2 =	simm.s32 @!p0 $0x1C03  }
0x78: {  	[timem:s3], [sflag:s2] =	dma.local @!p0 [hbm:s0], s1  }
0x79: {  	s0 =	simm.s32 @!p0 $0x3  }
0x7a: {  	_ =	swait.ge @!p0 [sflag:s0], s1  }
0x7b: {  	s1 =	ssub.s32 @!p0 $0x0, s1;
	[sflag:s0] =	ssyncset.done @!p0 $0x0  }
0x7c: {  	[sflag:s0] =	ssyncadd.s32 @!p0 s1  }
0x7d: {  	[bflag:$0x3] =	sbarrier.arrive $0xFFFF  }
0x7e: {  	_ =	shalt  }

// kernel: sparse-core-data-format-call.cloned.1.call-start
scs
called_computation_lowered:
.L_overlay_start_0:
0x0: {  	s2 =	sld [smem:$0x3FD9]  }
0x1: {  	s3 =	sld [smem:$0x3FFE];
	_ =	sdelay $0x1  }
0x2: {  	s1 =	srdreg.scid  }
0x3: {  	s0 =	sand.u32 $0x1, s1  }
0x4: {  	s18 =	sshll.u32 s0, $0xA;
	s2 =	sadd.s32 s3, s2  }
0x5: {  	s2 =	sadd.s32 s2, s18  }
0x6: {  	[smem:$0x3FC7] =	sst s2  }
0x7: {  	_ = 	snop  }
0x8: {  	s2 =	sld [smem:$0x3FD0];
	(tm) =	ssettm $0x1  }
0x9: {  	s19 =	sld [smem:$0x3FFB];
	_ =	sdelay $0x3  }
0xa: {  	_ =	strace s19  }
0xb: {  	s3 =	sld [smem:$0x3FFC];
	_ =	sdelay $0x3  }
0xc: {  	_ =	strace s3  }
0xd: {  	s3 =	sld [smem:$0x3FFD];
	_ =	sdelay $0x3  }
0xe: {  	_ =	strace s3  }
0xf: {  	_ =	strace $0x8FFFFFFF  }
0x10: {  	s20 =	sld [smem:$0x3FDB];
	_ =	sdelay $0x1  }
0x11: {  	s4 =	simm.s32 $_scs_section_size  }
0x12: {  	s5 =	simm.s32 $_size__tile_overlayer_lowered;
	s6 =	simm.s32 $_tile_overlayer_lowered  }
0x13: {  	s23 =	simm.s32 $0x1BFF;
	s22 =	sshll.u32 s6, $0x1;
	s3 =	sadd.s32 s4, s20  }
0x14: {  	s7 =	simm.s32 $0x0;
	s21 =	sshll.u32 s5, $0x1;
	s5 =	sadd.s32 s22, s3  }
0x15: {  	[timem:s7], [sflag:s23] =	dma.local [hbm:s5], s21  }
0x16: {  	_ =	swait.ge [sflag:s23], s21  }
0x17: {  	s4 =	ssub.s32 $0x0, s21;
	[sflag:s23] =	ssyncset.done $0x0  }
0x18: {  	[sflag:s23] =	ssyncadd.s32 s4;
	_ =	sdelay $0x1  }
0x19: {  	s24 =	simm.s32 $0x1B8B  }
0x1a: {  	_ =	swait.ge [sflag:s24], $0x1  }
0x1b: {  	[sflag:s24] =	ssyncset.done $0x0  }
0x1c: {  	s26 =	simm.s32 $0x1B8E;
	s25 =	sld [smem:$0x3FFE];
	[sflag:s24] =	ssyncadd.s32 $0xFFFFFFFF  }
0x1d: {  	s27 =	simm.s32 $execute0_lowered;
	[smem:$0x3FD2] =	sst s26  }
0x1e: {  	s5 =	sshll.u32 s27, $0x1;
	_ =	strace $0x80000049;
	[dreg:$0x1] =	wrdreg $0xFFFFFFFF  }
0x1f: {  	s28 =	simm.s32 $_size_execute0_lowered;
	s3 =	sadd.s32 s3, s5;
	[dreg:$0x0] =	wrdreg $0x0  }
0x20: {  	s5 =	sshll.u32 s28, $0x1;
	[dreg:$0x2] =	wrdreg s3  }
0x21: {  	[dreg:$0x3] =	wrdreg s5  }
0x22: {  	[dreg:$0x4] =	wrdreg $0xC0  }
0x23: {  	_ =	task [dreg:s7], $0x5FFFF  }
0x24: {  	[dreg:$0x1] =	wrdreg $0xFFFFFFFF  }
0x25: {  	[dreg:$0x0] =	wrdreg $0x60  }
0x26: {  	[dreg:$0x2] =	wrdreg s25  }
0x27: {  	[dreg:$0x3] =	wrdreg s2  }
0x28: {  	[dreg:$0x4] =	wrdreg $0x9  }
0x29: {  	_ =	task.clear_ibuf [dreg:s7], $0x5FFFF;
	_ =	strace $0x90000049  }
0x2a: {  	s29 =	simm.s32 $0x9;
	_ =	strace $0x8000004B  }
0x2b: {  	_ =	swait.ge [sflag:s29], $0x1  }
0x2c: {  	[sflag:s29] =	ssyncadd.s32 $0xFFFFFFFF  }
0x2d: {  	_ =	strace $0x9000004B  }
0x2e: {  	_ =	sfence  }
0x2f: {  	s30 =	sld [smem:$0x0];
	_ =	sdelay $0x2  }
0x30: {  	s31 =	sshll.u32 s1, $0xD;
	s1 =	sshrl.u32 s1, $0x2  }
0x31: {  	s3 =	sand.u32 $0x4000, s31;
	s1 =	sadd.s32 s1, s30  }
0x32: {  	s0 =	sor.u32 s3, s0;
	s1 =	sshll.u32 s1, $0x11  }
0x33: {  	s0 =	sor.u32 s1, s0  }
0x34: {  	s0 =	sadd.s32 $0x8F2B, s0  }
0x35: {  	[sflag:s0] =	ssyncadd.remote.s32 $0x1  }
0x36: {  	_ =	sfence.sel $0xFFFF  }
0x37: {  	[dreg:$0x0] =	wrdreg $0xFFFFFFFF;
	(pc) =	sbr.abs _section_cstart, $3  }
0x38: {  	[dreg:$0x1] =	wrdreg $0xFFFFFFFF  }
0x39: {  	_ =	task.clear_ibuf [dreg:s7], $0x2FFFF;
	_ =	strace $0x9FFFFFFF  }
0x3a: {  	(tm) =	ssettm $0x7FFFFFFF  }
0x3b: {  	_ =	shalt  }
tec
execute0_lowered:
.L_overlay_start_1:
0x0: {  	(tag) =	ssettag $0x1  }
0x1: {  	s0 =	srdreg.scid;
	s6 =	rddreg [dreg:$0x0]  }
0x2: {  	s3 =	rddreg [dreg:$0x1];
	s1 =	sshll.u32 s0, $0x4  }
0x3: {  	s5 =	simm.s32 $0x1;
	s0 =	stileid.u32;
	s1 =	sand.u32 $0x10, s1  }
0x4: {  	s31 =	simm.s32 $0x2;
	s16 =	simm.s32 $0x0;
	s1 =	sor.u32 s0, s1  }
0x5: {  	s8 =	simm.s32 $0x8000;
	s18 =	simm.s32 $0x0;
	s2 =	sshll.u32 s1, $0x7  }
0x6: {  	s17 =	simm.s32 $0x0;
	s9 =	simm.s32 $0x0;
	s4 =	ssub.s32 $0x1000, s2  }
0x7: {  	s10 =	simm.s32 $0x0;
	s11 =	simm.s32 $0x0;
	s30 =	sand.u32 $0xF80, s4  }
0x8: {  	s12 =	simm.s32 $0x0;
	s13 =	simm.s32 $0x0;
	p0 =	sne.s32 s30, $0x0  }
.Ltmp0:
0x9: {  	s7 =	sshrl.u32 s4, $0xC;
	s5 =	simm.s32 @!p0 $0x0;
	(pc) =	sbr.rel .LBB1_1-.Ltmp0, $4  }
0xa: {  	s15 =	simm.s32 $0x0;
	s1 =	rddreg [dreg:$0x2];
	s5 =	sadd.s32 s5, s7  }
0xb: {  	_ =	strace $0x8000004A;
	s4 =	simm.s32 $0x1;
	s5 =	smul.u32 $0xD0, s5  }
0xc: {  	s6 =	sadd.s32 $0x800, s6;
	s14 =	smov.u32 s2;
	[sflag:s4] =	ssyncpa.u1 $0x0  }
0xd: {  	[sflag:s31] =	ssyncpa.u1 $0x0;
	p0 =	por $0x0, $0x0;
	s7 =	sor.u32 $0x1, s5  }
.LBB1_4:
0xe: {  	s23 =	sshra.s32 s23, $0x2;
	s30 =	sshll.u32 s9, $0xC  }
0xf: {  	p1 =	sgt.s32 s10, $0x19;
	s24 =	smov.u32 s10;
	s25 =	sshra.s32 s10, $0x1F  }
0x10: {  	s26 =	sshll.u32 s11, $0x3;
	s28 =	smov.u32 s11;
	s29 =	sshra.s32 s11, $0x1F  }
0x11: {  	s22 =	sadd.s32 s23, s22;
	s24 =	simm.s32 @!p1 $0x19;
	s25 =	sand.u32 s25, s10  }
0x12: {  	s23 =	sand.u32 $0xFFFF8000, s30;
	s27 =	sand.u32 $0xFFFFFC00, s26;
	p1 =	sgt.s32 s9, $0x368  }
0x13: {  	s31 =	sand.u32 s29, s11;
	s29 =	sshll.u32 s9, $0x7;
	s30 =	sshra.s32 s9, $0x1F  }
0x14: {  	[tilespmem:s21+$0x2040 ss:$0x81] =	vst.msk $0xffff, v4;
	s24 =	ssub.s32 s24, s25;
	s23 =	sadd.s32 s27, s23;
	s27 =	smov.u32 s9  }
0x15: {  	[tilespmem:s21+$0x2850 ss:$0x81] =	vst.msk $0xffff, v3;
	s29 =	sand.u32 $0x380, s29;
	s25 =	sadd.s32 $0xFFFFFFE7, s24;
	s27 =	simm.s32 @!p1 $0x368  }
0x16: {  	v5 =	vld [tilespmem:s20+$0xFFFFFFD0];
	[tilespmem:s21+$0x3060 ss:$0x81] =	vst.msk $0xffff, v2;
	p1 =	sgt.s32 s11, $0xF80;
	s23 =	sshrl.u32 s23, $0xC;
	s24 =	ssub.s32 $0x1A, s24  }
0x17: {  	v58 =	vld [tilespmem:s20+$0xFFFFFFE0];
	[tilespmem:s21+$0x0 ss:$0x81] =	vst.msk $0xffff, v1;
	s28 =	simm.s32 @!p1 $0xF80;
	p1 =	sgt.s32 s25, $0x0;
	s21 =	smulhi.u32 $0x418938, s23  }
0x18: {  	v59 =	vld [tilespmem:s20+$0xFFFFFFF0];
	s25 =	ssub.s32 s28, s31;
	s28 =	sand.u32 s30, s9;
	s24 =	simm.s32 @p1 $0x0  }
0x19: {  	v60 =	vld [tilespmem:s20+$0x0];
	s27 =	ssub.s32 s27, s28;
	s31 =	sadd.s32 $0xFFFFF080, s25;
	s25 =	ssub.s32 $0x1000, s25  }
0x1a: {  	v61 =	vld [tilespmem:s20+$0x10];
	[tilespmem:s22+$0x3870 ss:$0x81] =	vst.msk $0xffff, v0;
	s21 =	smul.u32 $0x3E8, s21;
	s28 =	sand.u32 $0x7, s11;
	p1 =	sgt.s32 s31, $0x7F  }
0x1b: {  	v62 =	vld [tilespmem:s20+$0x20];
	[tilespmem:s22+$0x810 ss:$0x81] =	vst.msk $0xffff, v5;
	s30 =	sadd.s32 $0xFFFFFC98, s27;
	s31 =	sand.u32 $0x78, s11;
	s25 =	simm.s32 @p1 $0x0  }
0x1c: {  	v63 =	vld [tilespmem:s20+$0xFFFFFFC0];
	[tilespmem:s22+$0x1020 ss:$0x81] =	vst.msk $0xffff, v58;
	p1 =	sgt.s32 s30, $0x7F;
	s30 =	sand.u32 $0xC00, s26;
	s24 =	smul.u32 s25, s24  }
0x1d: {  	[tilespmem:s22+$0x1830 ss:$0x81] =	vst.msk $0xffff, v59;
	s26 =	ssub.s32 $0x3E8, s27;
	s20 =	sor.u32 s31, s30;
	s31 =	smul.u32 $0x7D000, s10  }
0x1e: {  	[tilespmem:s22+$0x2040 ss:$0x81] =	vst.msk $0xffff, v60;
	s21 =	ssub.s32 s23, s21;
	s26 =	simm.s32 @p1 $0x0;
	s20 =	sor.u32 s29, s20  }
0x1f: {  	[tilespmem:s22+$0x2850 ss:$0x81] =	vst.msk $0xffff, v61;
	s26 =	smul.u32 s26, s24;
	s20 =	sshrl.u32 s20, $0x3;
	s27 =	sadd.s32 s3, s31  }
0x20: {  	[tilespmem:s22+$0x3060 ss:$0x81] =	vst.msk $0xffff, v62;
	s21 =	sshll.u32 s21, $0x9;
	s29 =	sshll.u32 s28, $0x12;
	s20 =	sadd.s32 s20, s27  }
0x21: {  	[tilespmem:s22+$0x0 ss:$0x81] =	vst.msk $0xffff, v63;
	s31 =	sor.u32 $0x400, s29;
	s30 =	sand.u32 $0x3FFFFFFF, s26;
	s20 =	sadd.s32 s21, s20  }
0x22: {  	[hbm4b:s20+s31] =	stream.strided.scatter [tilespmem:s19], [sflag:$0x2], s30, s8, s31, $0x20;
	[tilespmem:$0x10100] =	vst v63  }
.LBB1_5:
0x23: {  	p1 =	slt.u32 s15, $0x2  }
0x24: {  	p2 =	sgt.s32 @!p1 s18, $0x19  }
0x25: {  	s19 =	smov.u32 s18;
	s20 =	sshra.s32 @!p1 s18, $0x1F;
	p2 =	por !p2, p1  }
0x26: {  	s18 =	sand.u32 @!p1 s20, s18;
	s19 =	simm.s32 @p2 $0x19  }
0x27: {  	p3 =	sgt.s32 @!p1 s16, $0x368;
	s18 =	ssub.s32 @!p1 s19, s18  }
0x28: {  	p4 =	sgt.s32 @!p1 s17, $0xF80;
	s21 =	sshra.s32 @!p1 s17, $0x1F;
	s19 =	sadd.s32 @!p1 $0xFFFFFFE7, s18  }
0x29: {  	s20 =	smov.u32 s16;
	p2 =	sgt.s32 @!p1 s19, $0x0;
	s19 =	sshra.s32 @!p1 s16, $0x1F  }
0x2a: {  	p4 =	por !p4, p1;
	s16 =	sand.u32 @!p1 s19, s16;
	s19 =	smov.u32 s17  }
0x2b: {  	p3 =	por !p3, p1;
	s17 =	sand.u32 @!p1 s21, s17;
	s19 =	simm.s32 @p4 $0xF80  }
0x2c: {  	s20 =	simm.s32 @p3 $0x368;
	s18 =	ssub.s32 @!p1 $0x1A, s18;
	s17 =	ssub.s32 @!p1 s19, s17  }
0x2d: {  	p2 =	por !p2, p1;
	s16 =	ssub.s32 @!p1 s20, s16;
	s20 =	sadd.s32 @!p1 $0xFFFFF080, s17  }
0x2e: {  	s18 =	simm.s32 @!p2 $0x0;
	p3 =	sgt.s32 @!p1 s20, $0x7F  }
0x2f: {  	s19 =	sadd.s32 @!p1 $0xFFFFFC98, s16;
	s17 =	ssub.s32 @!p1 $0x1000, s17;
	p3 =	por !p3, p1  }
0x30: {  	p2 =	sgt.s32 @!p1 s19, $0x7F;
	s19 =	sadd.s32 $0x80, s12;
	s17 =	simm.s32 @!p3 $0x0  }
0x31: {  	p3 =	sgt.s32 s19, $0x3E7;
	s17 =	smul.u32 @!p1 s17, s18;
	s18 =	simm.s32 $0x1  }
0x32: {  	s16 =	ssub.s32 @!p1 $0x3E8, s16;
	p2 =	por !p2, p1;
	s18 =	simm.s32 @!p3 $0x0  }
0x33: {  	s21 =	smov.u32 s14;
	s16 =	simm.s32 @!p2 $0x0;
	s20 =	sadd.s32 s18, s13  }
0x34: {  	s16 =	smul.u32 @!p1 s16, s17;
	s17 =	sadd.s32 $0x1000, s14;
	p2 =	sgt.s32 s20, $0x19  }
0x35: {  	p0 =	por !p0, !p0;
	s22 =	simm.s32 @!p1 $0x2;
	s21 =	smov.u32 @p2 s17  }
0x36: {  	s19 =	simm.s32 @p3 $0x0;
	s20 =	simm.s32 @p2 $0x0;
	p2 =	sgt.s32 s21, $0xFFF  }
0x37: {  	s18 =	smov.u32 s10;
	s21 =	smov.u32 @p2 s2;
	p2 =	sne.s32 s15, s7  }
.Ltmp1:
0x38: {  	s10 =	smov.u32 s13;
	s16 =	sand.u32 @!p1 $0x3FFFFFFF, s16;
	(pc) =	sbr.rel @!p2 .LBB1_6-.Ltmp1, $4  }
0x39: {  	s17 =	smov.u32 s11;
	s11 =	smov.u32 s14;
	_ =	swait.ge @!p1 [sflag:s22], s16  }
0x3a: {  	s23 =	ssub.s32 @!p1 $0x0, s16;
	s16 =	smov.u32 s9;
	s9 =	smov.u32 s12  }
0x3b: {  	s12 =	smov.u32 s19;
	s13 =	smov.u32 s20;
	[sflag:s22] =	ssyncset.done @!p1 $0x0  }
0x3c: {  	s15 =	sadd.s32 $0x1, s15;
	[sflag:s22] =	ssyncadd.s32 @!p1 s23;
	s14 =	smov.u32 s21  }
.LBB1_1:
0x3d: {  	p1 =	sge.u32 s15, s5  }
0x3e: {  	s31 =	sadd.s32 $0xFFFFFFFF, s15;
	s19 =	sshll.u32 @!p1 s13, $0x7  }
0x3f: {  	s20 =	sxor.u32 @!p1 $0xFFFFFFFF, s15;
	s21 =	sand.u32 @!p1 $0x78, s12;
	s22 =	sand.u32 @!p1 $0x380, s19  }
0x40: {  	s20 =	sshll.u32 @!p1 s20, $0xE;
	s21 =	sor.u32 @!p1 s21, s22;
	s22 =	sshll.u32 @!p1 s14, $0xC  }
0x41: {  	s19 =	sand.u32 @!p1 $0xC00, s19;
	s21 =	sshrl.u32 @!p1 s21, $0x3;
	s22 =	sadd.s32 @!p1 s6, s22  }
0x42: {  	s19 =	sadd.s32 @!p1 s12, s19;
	s21 =	sadd.s32 @!p1 s21, s22;
	s22 =	sand.u32 @!p1 $0x7, s12  }
0x43: {  	s20 =	sand.u32 @!p1 $0x4000, s20;
	s19 =	sand.u32 @!p1 $0xF80, s19;
	s22 =	sshll.u32 @!p1 s22, $0x12  }
0x44: {  	s19 =	sadd.s32 @!p1 s19, s21;
	s21 =	sor.u32 @!p1 $0x80, s22;
	s22 =	simm.s32 @!p1 $0x8000  }
0x45: {  	[tilespmem:s20], [sflag:$0x1] =	stream.strided.gather @!p1 [hbm4b:s19+s21], $0x4000, s22, s21, $0x38;
	[tilespmem:$0x10100] =	vst v63  }
0x46: {  	p1 =	sge.u32 s31, s5  }
.Ltmp2:
0x47: {  	_ = 	snop;
	(pc) =	sbr.rel @p1 .LBB1_5-.Ltmp2, $1  }
0x48: {  	_ =	sdelay $0x3  }
0x49: {  	s19 =	simm.s32 $0x1  }
0x4a: {  	_ =	swait.ge [sflag:s4], $0x4000;
	s19 =	simm.s32 @!p0 $0x0  }
0x4b: {  	[sflag:s4] =	ssyncset.done $0x0;
	s20 =	sshll.u32 s19, $0xE  }
0x4c: {  	[sflag:s4] =	ssyncadd.s32 $0xFFFFC000;
	s20 =	sor.u32 $0x40, s20  }
0x4d: {  	s19 =	smul.u32 $0x10200, s19;
	v0 =	vld [tilespmem:s20+$0x30]  }
0x4e: {  	v1 =	vld [tilespmem:s20+$0xFFFFFFD0]  }
0x4f: {  	s19 =	sshrl.u32 s19, $0x2;
	v5 =	vld [tilespmem:s20+$0xFFFFFFE0]  }
0x50: {  	v6 =	vld [tilespmem:s20+$0xFFFFFFF0];
	s22 =	sor.u32 $0x8000, s19  }
0x51: {  	s31 =	sand.u32 $0x1, s15;
	v4 =	vld [tilespmem:s20+$0x0];
	s21 =	sadd.s32 $0x0, s22  }
0x52: {  	v3 =	vld [tilespmem:s20+$0x10];
	s19 =	smul.u32 $0x10200, s31;
	[tilespmem:s21+$0x3870 ss:$0x81] =	vst.msk $0xffff, v0  }
0x53: {  	v2 =	vld [tilespmem:s20+$0x20];
	[tilespmem:s21+$0x810 ss:$0x81] =	vst.msk $0xffff, v1  }
0x54: {  	s19 =	sshrl.u32 s19, $0x2;
	v1 =	vld [tilespmem:s20+$0xFFFFFFC0];
	[tilespmem:s21+$0x1020 ss:$0x81] =	vst.msk $0xffff, v5;
	s20 =	sadd.s32 $0x80, s20  }
0x55: {  	s23 =	simm.s32 $0x4;
	s24 =	simm.s32 $0x8;
	s19 =	sor.u32 $0x8000, s19;
	[tilespmem:s21+$0x1830 ss:$0x81] =	vst.msk $0xffff, v6;
	v0 =	vld [tilespmem:s20+$0x30]  }
.LBB1_3:
0x56: {  	p1 =	sne.s32 s24, $0x1FC;
	v5 =	vld [tilespmem:s20+$0xFFFFFFD0];
	[tilespmem:s21+$0x2040 ss:$0x81] =	vst.msk $0xffff, v4  }
0x57: {  	v6 =	vld [tilespmem:s20+$0xFFFFFFE0];
	[tilespmem:s21+$0x2850 ss:$0x81] =	vst.msk $0xffff, v3  }
0x58: {  	s25 =	sshra.s32 s23, $0x2;
	s23 =	smov.u32 s24;
	v7 =	vld [tilespmem:s20+$0xFFFFFFF0];
	[tilespmem:s21+$0x3060 ss:$0x81] =	vst.msk $0xffff, v2  }
.Ltmp3:
0x59: {  	v4 =	vld [tilespmem:s20+$0x0];
	[tilespmem:s21+$0x0 ss:$0x81] =	vst.msk $0xffff, v1;
	s21 =	sadd.s32 s25, s22;
	(pc) =	sbr.rel @p1 .LBB1_3-.Ltmp3, $4  }
0x5a: {  	v3 =	vld [tilespmem:s20+$0x10];
	[tilespmem:s21+$0x3870 ss:$0x81] =	vst.msk $0xffff, v0  }
0x5b: {  	[tilespmem:s21+$0x810 ss:$0x81] =	vst.msk $0xffff, v5;
	v2 =	vld [tilespmem:s20+$0x20]  }
0x5c: {  	v1 =	vld [tilespmem:s20+$0xFFFFFFC0];
	[tilespmem:s21+$0x1020 ss:$0x81] =	vst.msk $0xffff, v6;
	s20 =	sadd.s32 $0x80, s20  }
0x5d: {  	s24 =	sadd.s32 $0x4, s24;
	v0 =	vld [tilespmem:s20+$0x30];
	[tilespmem:s21+$0x1830 ss:$0x81] =	vst.msk $0xffff, v7  }
.Ltmp4:
0x5e: {  	_ = 	snop;
	(pc) =	sbr.rel .LBB1_4-.Ltmp4, $1  }
0x5f: {  	_ =	sdelay $0x3  }
.LBB1_6:
0x60: {  	_ =	sfence.sel $0x180000  }
0x61: {  	s2 =	simm.s32 $0x1;
	[bflag:$0x0] =	sbarrier.arrive $0xFFFF  }
0x62: {  	s31 =	simm.s32 $0x2;
	[sflag:s2] =	ssyncpa.u1 $0x1  }
0x63: {  	[sflag:s31] =	ssyncpa.u1 $0x1  }
0x64: {  	p0 =	sne.s32 s0, $0x0;
	_ =	strace $0x9000004A  }
0x65: {  	s0 =	sadd.s32 @!p0 $0x100000, s1;
	[bflag:$0x2] =	sbarrier.arrive $0xFFFF  }
0x66: {  	[sflag:s0] =	ssyncadd.tile.s32 @!p0 $0x1;
	_ =	shalt  }
.Lfunc_end1:
_tile_overlayer_lowered:
.L_overlay_start_2:
0x67: {  	(tag) =	ssettag $0x2  }
0x68: {  	s0 =	rddreg [dreg:$0x0];
	s2 =	stileid.u32  }
0x69: {  	s1 =	rddreg [dreg:$0x1];
	p0 =	sne.s32 s2, $0x0  }
0x6a: {  	s3 =	rddreg [dreg:$0x2];
	[bflag:$0x3] =	sbarrier.arrive $0xFFFF;
	s2 =	simm.s32 @!p0 $0x1C01  }
0x6b: {  	[timem:s3], [sflag:s2] =	dma.local @!p0 [hbm:s0], s1  }
0x6c: {  	s0 =	simm.s32 @!p0 $0x1  }
0x6d: {  	_ =	swait.ge @!p0 [sflag:s0], s1  }
0x6e: {  	s1 =	ssub.s32 @!p0 $0x0, s1;
	[sflag:s0] =	ssyncset.done @!p0 $0x0  }
0x6f: {  	[sflag:s0] =	ssyncadd.s32 @!p0 s1  }
0x70: {  	[bflag:$0x3] =	sbarrier.arrive $0xFFFF  }
0x71: {  	_ =	shalt  }

</sc_bundles>
